<compile_context>
chip_gen: v7x
topology: tpu7x:2x2x1
jax: 0.10.2.dev20260603
libtpu: 0.0.44.dev20260713+nightly
codegen_flags: <defaults>
</compile_context>

<pallas_src>
import functools

import jax
import jax.numpy as jnp
from jax import lax
from jax.experimental import pallas as pl
from jax.experimental.pallas import tpu as pltpu
from jax.experimental.pallas import tpu_sc as plsc

_B, _L = 16384, 200
_V, _D = 8, 16
_NPAIR = _B * _L // 2
_NC, _NS = 2, 16
_NW = _NC * _NS
_PER_W = _NPAIR // _NW
_CH = 2048
_NCHUNK = _PER_W // _CH


def _mpair_body(t_ref, w_ref, b_ref, mp_ref):
    f32 = jnp.float32
    m = lax.dot_general(t_ref[...], w_ref[...], (((1,), (1,)), ((), ())),
                        preferred_element_type=f32) + b_ref[...]
    p_i = lax.broadcasted_iota(jnp.int32, (64, _V), 0)
    k_i = lax.broadcasted_iota(jnp.int32, (64, _V), 1)
    repa = (p_i // _V == k_i).astype(f32)
    repb = (p_i % _V == k_i).astype(f32)
    v_i = lax.broadcasted_iota(jnp.int32, (_V, _D), 0)
    l_i = lax.broadcasted_iota(jnp.int32, (_V, _D), 1)
    el = (l_i == v_i).astype(f32)
    er = (l_i == v_i + _V).astype(f32)
    dot = functools.partial(lax.dot_general,
                            dimension_numbers=(((1,), (0,)), ((), ())),
                            preferred_element_type=f32)
    mp_ref[...] = dot(repa, dot(m, el)) + dot(repb, dot(m, er))


def _pairs_body(x_ref, p_ref):
    f32 = jnp.float32
    xf = x_ref[...].astype(f32)
    j_i = lax.broadcasted_iota(jnp.int32, (_L, _L // 2), 0)
    t_i = lax.broadcasted_iota(jnp.int32, (_L, _L // 2), 1)
    se = (j_i == 2 * t_i).astype(f32)
    so = (j_i == 2 * t_i + 1).astype(f32)
    dot = functools.partial(lax.dot_general,
                            dimension_numbers=(((1,), (0,)), ((), ())),
                            preferred_element_type=f32)
    p_ref[...] = (8.0 * dot(xf, se) + dot(xf, so)).astype(jnp.int32)


def _sc_gather_body(mpair_hbm, p_hbm, out_hbm, idx_v, rows_v, sem):
    wid = lax.axis_index("c") * _NS + lax.axis_index("s")
    base = wid * _PER_W
    for i in range(_NCHUNK):
        off = base + i * _CH
        pltpu.sync_copy(p_hbm.at[pl.ds(off, _CH)], idx_v)
        pltpu.async_copy(mpair_hbm.at[idx_v], rows_v, sem).wait()
        pltpu.sync_copy(rows_v, out_hbm.at[pl.ds(off, _CH)])


@functools.cache
def _sc_gather():
    mesh = plsc.VectorSubcoreMesh(core_axis_name="c", subcore_axis_name="s")
    return pl.kernel(
        _sc_gather_body,
        mesh=mesh,
        out_type=jax.ShapeDtypeStruct((_NPAIR, _D), jnp.float32),
        scratch_types=[
            pltpu.VMEM((_CH,), jnp.int32),
            pltpu.VMEM((_CH, _D), jnp.float32),
            pltpu.SemaphoreType.DMA,
        ],
        compiler_params=pltpu.CompilerParams(use_tc_tiling_on_sc=False),
    )


def kernel(x, table, W, b):
    mpair = pl.pallas_call(
        _mpair_body,
        out_shape=jax.ShapeDtypeStruct((64, _D), jnp.float32),
    )(table, W, b.reshape(1, _V))
    pairs = pl.pallas_call(
        _pairs_body,
        grid=(_B // 512,),
        in_specs=[pl.BlockSpec((512, _L), lambda i: (i, 0))],
        out_specs=pl.BlockSpec((512, _L // 2), lambda i: (i, 0)),
        out_shape=jax.ShapeDtypeStruct((_B, _L // 2), jnp.int32),
    )(x)
    out16 = _sc_gather()(mpair, pairs.reshape(_NPAIR))
    return out16.reshape(_B, _L, _V)

# --- scband reference (transcript-rebuilt; emitter-appended) ---
"""Pipeline reference for scband-tiny-transformer-8375186228002 (READ-ONLY COPY).

The authoritative reference and input builder live on the scoring server;
editing this copy changes nothing except your own understanding.
"""

import jax, jax.numpy as jnp
import numpy as np

VOCAB_SIZE = 8
EMBEDDING_DIM = 16

def setup_inputs(seed: int = 0) -> dict:
    key = jax.random.key(seed)
    k1, k2, k3, k4 = jax.random.split(key, 4)
    x = jax.random.randint(k1, (16384, 200), 0, VOCAB_SIZE, dtype=jnp.int64 if jax.config.jax_enable_x64 else jnp.int32)
    table = jax.random.normal(k2, (VOCAB_SIZE, EMBEDDING_DIM), dtype=jnp.float32)
    W = jax.random.normal(k3, (VOCAB_SIZE, EMBEDDING_DIM), dtype=jnp.float32) * (1.0 / np.sqrt(EMBEDDING_DIM))
    b = jax.random.normal(k4, (VOCAB_SIZE,), dtype=jnp.float32) * 0.01
    return {"x": x, "table": table, "W": W, "b": b}

def reference(x, table, W, b):
    # x_embed = embedding(x): gather rows of table
    x_embed = jnp.take(table, x, axis=0)  # [B, L, D]
    # fc: Linear(embedding_dim, vocab_size) -> x_embed @ W.T + b
    x_out = jnp.einsum('bld,vd->blv', x_embed, W) + b
    return x_out

if __name__ == "__main__":
    import jax
    _d = setup_inputs()
    print(jax.jit(kernel)(*tuple(_d.values())))

</pallas_src>

<mosaic_0001>
#map = affine_map<(d0, d1) -> (0, 0)>
#map1 = affine_map<(d0, d1) -> (0)>
module attributes {stable_mosaic.version = 14 : i64} {
  func.func @_sc_gather_body(%arg0: i32, %arg1: i32, %arg2: memref<64x16xf32, #tpu.memory_space<hbm>>, %arg3: memref<1638400xi32, #tpu.memory_space<hbm>>, %arg4: memref<1638400x16xf32, #tpu.memory_space<hbm>>, %arg5: memref<2048xi32, #tpu.memory_space<vmem>>, %arg6: memref<2048x16xf32, #tpu.memory_space<vmem>>, %arg7: memref<!tpu.dma_semaphore, #tpu.memory_space<semaphore_mem>>) attributes {dimension_semantics = [#tpu.dimension_semantics<core_parallel>, #tpu.dimension_semantics<subcore_parallel>], iteration_bounds = array<i64: 2, 16>, scalar_prefetch = 0 : i64, scratch_operands = 3 : i64, tpu.core_type = #tpu.core_type<sc_vector_subcore>, window_params = [{transform_indices = #map}, {transform_indices = #map1}, {transform_indices = #map}]} {
    %mul3A = arith.constant 16 : i32
    %mul3A_0 = arith.muli %arg0, %mul3A : i32
    %add3A = arith.addi %mul3A_0, %arg1 : i32
    %mul3A_1 = arith.constant 51200 : i32
    %mul3A_2 = arith.muli %add3A, %mul3A_1 : i32
    %add3A_3 = arith.constant 0 : i32
    %add3A_4 = arith.addi %mul3A_2, %add3A_3 : i32
    "tpu.region"() ({
      %run_scoped3A = tpu.sem_alloc : memref<!tpu.dma_semaphore, #tpu.memory_space<semaphore_mem>>
      %dma_start3A_201 = tpu.memref_slice %arg3[%add3A_4] : memref<1638400xi32, #tpu.memory_space<hbm>> -> memref<2048xi32, #tpu.memory_space<hbm>>
      %dma_start3A_202 = tpu.memref_slice %arg3[%add3A_4] : memref<1638400xi32, #tpu.memory_space<hbm>> -> memref<2048xi32, #tpu.memory_space<hbm>>
      tpu.enqueue_dma source(%dma_start3A_202 : memref<2048xi32, #tpu.memory_space<hbm>>) target(%arg5 : memref<2048xi32, #tpu.memory_space<vmem>>) target_semaphore(%run_scoped3A : memref<!tpu.dma_semaphore, #tpu.memory_space<semaphore_mem>>)
      %dma_wait3A_203 = tpu.memref_slice %arg3[%add3A_4] : memref<1638400xi32, #tpu.memory_space<hbm>> -> memref<2048xi32, #tpu.memory_space<hbm>>
      %dma_wait3A_204 = tpu.memref_slice %arg3[%add3A_4] : memref<1638400xi32, #tpu.memory_space<hbm>> -> memref<2048xi32, #tpu.memory_space<hbm>>
      tpu.wait_dma2 semaphore(%run_scoped3A : memref<!tpu.dma_semaphore, #tpu.memory_space<semaphore_mem>>) src(%dma_wait3A_204 : memref<2048xi32, #tpu.memory_space<hbm>>) dst(%arg5 : memref<2048xi32, #tpu.memory_space<vmem>>)
      tpu.yield
    }) : () -> ()
    %dma_start3A = arith.constant 0 : i32
    %dma_start3A_5 = arith.constant 0 : i32
    %dma_start3A_6 = tpu.memref_slice %arg2[%dma_start3A, %dma_start3A_5] : memref<64x16xf32, #tpu.memory_space<hbm>> -> memref<64x16xf32, #tpu.memory_space<hbm>>
    tpu.enqueue_indirect_dma source(%dma_start3A_6 : memref<64x16xf32, #tpu.memory_space<hbm>>) target(%arg6 : memref<2048x16xf32, #tpu.memory_space<vmem>>) offsets(%arg5 : memref<2048xi32, #tpu.memory_space<vmem>>) semaphore(%arg7 : memref<!tpu.dma_semaphore, #tpu.memory_space<semaphore_mem>>)
    %dma_wait3A = arith.constant 0 : i32
    %dma_wait3A_7 = arith.constant 0 : i32
    %dma_wait3A_8 = tpu.memref_slice %arg2[%dma_wait3A, %dma_wait3A_7] : memref<64x16xf32, #tpu.memory_space<hbm>> -> memref<64x16xf32, #tpu.memory_space<hbm>>
    tpu.wait_indirect_dma semaphore(%arg7 : memref<!tpu.dma_semaphore, #tpu.memory_space<semaphore_mem>>) src(%dma_wait3A_8 : memref<64x16xf32, #tpu.memory_space<hbm>>) dst(%arg6 : memref<2048x16xf32, #tpu.memory_space<vmem>>)
    "tpu.region"() ({
      %run_scoped3A = tpu.sem_alloc : memref<!tpu.dma_semaphore, #tpu.memory_space<semaphore_mem>>
      %dma_start3A_201 = arith.constant 0 : i32
      %dma_start3A_202 = tpu.memref_slice %arg4[%add3A_4, %dma_start3A_201] : memref<1638400x16xf32, #tpu.memory_space<hbm>> -> memref<2048x16xf32, #tpu.memory_space<hbm>>
      %dma_start3A_203 = arith.constant 0 : i32
      %dma_start3A_204 = tpu.memref_slice %arg4[%add3A_4, %dma_start3A_203] : memref<1638400x16xf32, #tpu.memory_space<hbm>> -> memref<2048x16xf32, #tpu.memory_space<hbm>>
      tpu.enqueue_dma source(%arg6 : memref<2048x16xf32, #tpu.memory_space<vmem>>) target(%dma_start3A_204 : memref<2048x16xf32, #tpu.memory_space<hbm>>) target_semaphore(%run_scoped3A : memref<!tpu.dma_semaphore, #tpu.memory_space<semaphore_mem>>)
      %dma_wait3A_205 = arith.constant 0 : i32
      %dma_wait3A_206 = tpu.memref_slice %arg4[%add3A_4, %dma_wait3A_205] : memref<1638400x16xf32, #tpu.memory_space<hbm>> -> memref<2048x16xf32, #tpu.memory_space<hbm>>
      %dma_wait3A_207 = arith.constant 0 : i32
      %dma_wait3A_208 = tpu.memref_slice %arg4[%add3A_4, %dma_wait3A_207] : memref<1638400x16xf32, #tpu.memory_space<hbm>> -> memref<2048x16xf32, #tpu.memory_space<hbm>>
      tpu.wait_dma2 semaphore(%run_scoped3A : memref<!tpu.dma_semaphore, #tpu.memory_space<semaphore_mem>>) src(%arg6 : memref<2048x16xf32, #tpu.memory_space<vmem>>) dst(%dma_wait3A_208 : memref<2048x16xf32, #tpu.memory_space<hbm>>)
      tpu.yield
    }) : () -> ()
    %add3A_9 = arith.constant 2048 : i32
    %add3A_10 = arith.addi %mul3A_2, %add3A_9 : i32
    "tpu.region"() ({
      %run_scoped3A = tpu.sem_alloc : memref<!tpu.dma_semaphore, #tpu.memory_space<semaphore_mem>>
      %dma_start3A_201 = tpu.memref_slice %arg3[%add3A_10] : memref<1638400xi32, #tpu.memory_space<hbm>> -> memref<2048xi32, #tpu.memory_space<hbm>>
      %dma_start3A_202 = tpu.memref_slice %arg3[%add3A_10] : memref<1638400xi32, #tpu.memory_space<hbm>> -> memref<2048xi32, #tpu.memory_space<hbm>>
      tpu.enqueue_dma source(%dma_start3A_202 : memref<2048xi32, #tpu.memory_space<hbm>>) target(%arg5 : memref<2048xi32, #tpu.memory_space<vmem>>) target_semaphore(%run_scoped3A : memref<!tpu.dma_semaphore, #tpu.memory_space<semaphore_mem>>)
      %dma_wait3A_203 = tpu.memref_slice %arg3[%add3A_10] : memref<1638400xi32, #tpu.memory_space<hbm>> -> memref<2048xi32, #tpu.memory_space<hbm>>
      %dma_wait3A_204 = tpu.memref_slice %arg3[%add3A_10] : memref<1638400xi32, #tpu.memory_space<hbm>> -> memref<2048xi32, #tpu.memory_space<hbm>>
      tpu.wait_dma2 semaphore(%run_scoped3A : memref<!tpu.dma_semaphore, #tpu.memory_space<semaphore_mem>>) src(%dma_wait3A_204 : memref<2048xi32, #tpu.memory_space<hbm>>) dst(%arg5 : memref<2048xi32, #tpu.memory_space<vmem>>)
      tpu.yield
    }) : () -> ()
    %dma_start3A_11 = arith.constant 0 : i32
    %dma_start3A_12 = arith.constant 0 : i32
    %dma_start3A_13 = tpu.memref_slice %arg2[%dma_start3A_11, %dma_start3A_12] : memref<64x16xf32, #tpu.memory_space<hbm>> -> memref<64x16xf32, #tpu.memory_space<hbm>>
    tpu.enqueue_indirect_dma source(%dma_start3A_13 : memref<64x16xf32, #tpu.memory_space<hbm>>) target(%arg6 : memref<2048x16xf32, #tpu.memory_space<vmem>>) offsets(%arg5 : memref<2048xi32, #tpu.memory_space<vmem>>) semaphore(%arg7 : memref<!tpu.dma_semaphore, #tpu.memory_space<semaphore_mem>>)
    %dma_wait3A_14 = arith.constant 0 : i32
    %dma_wait3A_15 = arith.constant 0 : i32
    %dma_wait3A_16 = tpu.memref_slice %arg2[%dma_wait3A_14, %dma_wait3A_15] : memref<64x16xf32, #tpu.memory_space<hbm>> -> memref<64x16xf32, #tpu.memory_space<hbm>>
    tpu.wait_indirect_dma semaphore(%arg7 : memref<!tpu.dma_semaphore, #tpu.memory_space<semaphore_mem>>) src(%dma_wait3A_16 : memref<64x16xf32, #tpu.memory_space<hbm>>) dst(%arg6 : memref<2048x16xf32, #tpu.memory_space<vmem>>)
    "tpu.region"() ({
      %run_scoped3A = tpu.sem_alloc : memref<!tpu.dma_semaphore, #tpu.memory_space<semaphore_mem>>
      %dma_start3A_201 = arith.constant 0 : i32
      %dma_start3A_202 = tpu.memref_slice %arg4[%add3A_10, %dma_start3A_201] : memref<1638400x16xf32, #tpu.memory_space<hbm>> -> memref<2048x16xf32, #tpu.memory_space<hbm>>
      %dma_start3A_203 = arith.constant 0 : i32
      %dma_start3A_204 = tpu.memref_slice %arg4[%add3A_10, %dma_start3A_203] : memref<1638400x16xf32, #tpu.memory_space<hbm>> -> memref<2048x16xf32, #tpu.memory_space<hbm>>
      tpu.enqueue_dma source(%arg6 : memref<2048x16xf32, #tpu.memory_space<vmem>>) target(%dma_start3A_204 : memref<2048x16xf32, #tpu.memory_space<hbm>>) target_semaphore(%run_scoped3A : memref<!tpu.dma_semaphore, #tpu.memory_space<semaphore_mem>>)
      %dma_wait3A_205 = arith.constant 0 : i32
      %dma_wait3A_206 = tpu.memref_slice %arg4[%add3A_10, %dma_wait3A_205] : memref<1638400x16xf32, #tpu.memory_space<hbm>> -> memref<2048x16xf32, #tpu.memory_space<hbm>>
      %dma_wait3A_207 = arith.constant 0 : i32
      %dma_wait3A_208 = tpu.memref_slice %arg4[%add3A_10, %dma_wait3A_207] : memref<1638400x16xf32, #tpu.memory_space<hbm>> -> memref<2048x16xf32, #tpu.memory_space<hbm>>
      tpu.wait_dma2 semaphore(%run_scoped3A : memref<!tpu.dma_semaphore, #tpu.memory_space<semaphore_mem>>) src(%arg6 : memref<2048x16xf32, #tpu.memory_space<vmem>>) dst(%dma_wait3A_208 : memref<2048x16xf32, #tpu.memory_space<hbm>>)
      tpu.yield
    }) : () -> ()
    %add3A_17 = arith.constant 4096 : i32
    %add3A_18 = arith.addi %mul3A_2, %add3A_17 : i32
    "tpu.region"() ({
      %run_scoped3A = tpu.sem_alloc : memref<!tpu.dma_semaphore, #tpu.memory_space<semaphore_mem>>
      %dma_start3A_201 = tpu.memref_slice %arg3[%add3A_18] : memref<1638400xi32, #tpu.memory_space<hbm>> -> memref<2048xi32, #tpu.memory_space<hbm>>
      %dma_start3A_202 = tpu.memref_slice %arg3[%add3A_18] : memref<1638400xi32, #tpu.memory_space<hbm>> -> memref<2048xi32, #tpu.memory_space<hbm>>
      tpu.enqueue_dma source(%dma_start3A_202 : memref<2048xi32, #tpu.memory_space<hbm>>) target(%arg5 : memref<2048xi32, #tpu.memory_space<vmem>>) target_semaphore(%run_scoped3A : memref<!tpu.dma_semaphore, #tpu.memory_space<semaphore_mem>>)
      %dma_wait3A_203 = tpu.memref_slice %arg3[%add3A_18] : memref<1638400xi32, #tpu.memory_space<hbm>> -> memref<2048xi32, #tpu.memory_space<hbm>>
      %dma_wait3A_204 = tpu.memref_slice %arg3[%add3A_18] : memref<1638400xi32, #tpu.memory_space<hbm>> -> memref<2048xi32, #tpu.memory_space<hbm>>
      tpu.wait_dma2 semaphore(%run_scoped3A : memref<!tpu.dma_semaphore, #tpu.memory_space<semaphore_mem>>) src(%dma_wait3A_204 : memref<2048xi32, #tpu.memory_space<hbm>>) dst(%arg5 : memref<2048xi32, #tpu.memory_space<vmem>>)
      tpu.yield
    }) : () -> ()
    %dma_start3A_19 = arith.constant 0 : i32
    %dma_start3A_20 = arith.constant 0 : i32
    %dma_start3A_21 = tpu.memref_slice %arg2[%dma_start3A_19, %dma_start3A_20] : memref<64x16xf32, #tpu.memory_space<hbm>> -> memref<64x16xf32, #tpu.memory_space<hbm>>
    tpu.enqueue_indirect_dma source(%dma_start3A_21 : memref<64x16xf32, #tpu.memory_space<hbm>>) target(%arg6 : memref<2048x16xf32, #tpu.memory_space<vmem>>) offsets(%arg5 : memref<2048xi32, #tpu.memory_space<vmem>>) semaphore(%arg7 : memref<!tpu.dma_semaphore, #tpu.memory_space<semaphore_mem>>)
    %dma_wait3A_22 = arith.constant 0 : i32
    %dma_wait3A_23 = arith.constant 0 : i32
    %dma_wait3A_24 = tpu.memref_slice %arg2[%dma_wait3A_22, %dma_wait3A_23] : memref<64x16xf32, #tpu.memory_space<hbm>> -> memref<64x16xf32, #tpu.memory_space<hbm>>
    tpu.wait_indirect_dma semaphore(%arg7 : memref<!tpu.dma_semaphore, #tpu.memory_space<semaphore_mem>>) src(%dma_wait3A_24 : memref<64x16xf32, #tpu.memory_space<hbm>>) dst(%arg6 : memref<2048x16xf32, #tpu.memory_space<vmem>>)
    "tpu.region"() ({
      %run_scoped3A = tpu.sem_alloc : memref<!tpu.dma_semaphore, #tpu.memory_space<semaphore_mem>>
      %dma_start3A_201 = arith.constant 0 : i32
      %dma_start3A_202 = tpu.memref_slice %arg4[%add3A_18, %dma_start3A_201] : memref<1638400x16xf32, #tpu.memory_space<hbm>> -> memref<2048x16xf32, #tpu.memory_space<hbm>>
      %dma_start3A_203 = arith.constant 0 : i32
      %dma_start3A_204 = tpu.memref_slice %arg4[%add3A_18, %dma_start3A_203] : memref<1638400x16xf32, #tpu.memory_space<hbm>> -> memref<2048x16xf32, #tpu.memory_space<hbm>>
      tpu.enqueue_dma source(%arg6 : memref<2048x16xf32, #tpu.memory_space<vmem>>) target(%dma_start3A_204 : memref<2048x16xf32, #tpu.memory_space<hbm>>) target_semaphore(%run_scoped3A : memref<!tpu.dma_semaphore, #tpu.memory_space<semaphore_mem>>)
      %dma_wait3A_205 = arith.constant 0 : i32
      %dma_wait3A_206 = tpu.memref_slice %arg4[%add3A_18, %dma_wait3A_205] : memref<1638400x16xf32, #tpu.memory_space<hbm>> -> memref<2048x16xf32, #tpu.memory_space<hbm>>
      %dma_wait3A_207 = arith.constant 0 : i32
      %dma_wait3A_208 = tpu.memref_slice %arg4[%add3A_18, %dma_wait3A_207] : memref<1638400x16xf32, #tpu.memory_space<hbm>> -> memref<2048x16xf32, #tpu.memory_space<hbm>>
      tpu.wait_dma2 semaphore(%run_scoped3A : memref<!tpu.dma_semaphore, #tpu.memory_space<semaphore_mem>>) src(%arg6 : memref<2048x16xf32, #tpu.memory_space<vmem>>) dst(%dma_wait3A_208 : memref<2048x16xf32, #tpu.memory_space<hbm>>)
      tpu.yield
    }) : () -> ()
    %add3A_25 = arith.constant 6144 : i32
    %add3A_26 = arith.addi %mul3A_2, %add3A_25 : i32
    "tpu.region"() ({
      %run_scoped3A = tpu.sem_alloc : memref<!tpu.dma_semaphore, #tpu.memory_space<semaphore_mem>>
      %dma_start3A_201 = tpu.memref_slice %arg3[%add3A_26] : memref<1638400xi32, #tpu.memory_space<hbm>> -> memref<2048xi32, #tpu.memory_space<hbm>>
      %dma_start3A_202 = tpu.memref_slice %arg3[%add3A_26] : memref<1638400xi32, #tpu.memory_space<hbm>> -> memref<2048xi32, #tpu.memory_space<hbm>>
      tpu.enqueue_dma source(%dma_start3A_202 : memref<2048xi32, #tpu.memory_space<hbm>>) target(%arg5 : memref<2048xi32, #tpu.memory_space<vmem>>) target_semaphore(%run_scoped3A : memref<!tpu.dma_semaphore, #tpu.memory_space<semaphore_mem>>)
      %dma_wait3A_203 = tpu.memref_slice %arg3[%add3A_26] : memref<1638400xi32, #tpu.memory_space<hbm>> -> memref<2048xi32, #tpu.memory_space<hbm>>
      %dma_wait3A_204 = tpu.memref_slice %arg3[%add3A_26] : memref<1638400xi32, #tpu.memory_space<hbm>> -> memref<2048xi32, #tpu.memory_space<hbm>>
      tpu.wait_dma2 semaphore(%run_scoped3A : memref<!tpu.dma_semaphore, #tpu.memory_space<semaphore_mem>>) src(%dma_wait3A_204 : memref<2048xi32, #tpu.memory_space<hbm>>) dst(%arg5 : memref<2048xi32, #tpu.memory_space<vmem>>)
      tpu.yield
    }) : () -> ()
    %dma_start3A_27 = arith.constant 0 : i32
    %dma_start3A_28 = arith.constant 0 : i32
    %dma_start3A_29 = tpu.memref_slice %arg2[%dma_start3A_27, %dma_start3A_28] : memref<64x16xf32, #tpu.memory_space<hbm>> -> memref<64x16xf32, #tpu.memory_space<hbm>>
    tpu.enqueue_indirect_dma source(%dma_start3A_29 : memref<64x16xf32, #tpu.memory_space<hbm>>) target(%arg6 : memref<2048x16xf32, #tpu.memory_space<vmem>>) offsets(%arg5 : memref<2048xi32, #tpu.memory_space<vmem>>) semaphore(%arg7 : memref<!tpu.dma_semaphore, #tpu.memory_space<semaphore_mem>>)
    %dma_wait3A_30 = arith.constant 0 : i32
    %dma_wait3A_31 = arith.constant 0 : i32
    %dma_wait3A_32 = tpu.memref_slice %arg2[%dma_wait3A_30, %dma_wait3A_31] : memref<64x16xf32, #tpu.memory_space<hbm>> -> memref<64x16xf32, #tpu.memory_space<hbm>>
    tpu.wait_indirect_dma semaphore(%arg7 : memref<!tpu.dma_semaphore, #tpu.memory_space<semaphore_mem>>) src(%dma_wait3A_32 : memref<64x16xf32, #tpu.memory_space<hbm>>) dst(%arg6 : memref<2048x16xf32, #tpu.memory_space<vmem>>)
    "tpu.region"() ({
      %run_scoped3A = tpu.sem_alloc : memref<!tpu.dma_semaphore, #tpu.memory_space<semaphore_mem>>
      %dma_start3A_201 = arith.constant 0 : i32
      %dma_start3A_202 = tpu.memref_slice %arg4[%add3A_26, %dma_start3A_201] : memref<1638400x16xf32, #tpu.memory_space<hbm>> -> memref<2048x16xf32, #tpu.memory_space<hbm>>
      %dma_start3A_203 = arith.constant 0 : i32
      %dma_start3A_204 = tpu.memref_slice %arg4[%add3A_26, %dma_start3A_203] : memref<1638400x16xf32, #tpu.memory_space<hbm>> -> memref<2048x16xf32, #tpu.memory_space<hbm>>
      tpu.enqueue_dma source(%arg6 : memref<2048x16xf32, #tpu.memory_space<vmem>>) target(%dma_start3A_204 : memref<2048x16xf32, #tpu.memory_space<hbm>>) target_semaphore(%run_scoped3A : memref<!tpu.dma_semaphore, #tpu.memory_space<semaphore_mem>>)
      %dma_wait3A_205 = arith.constant 0 : i32
      %dma_wait3A_206 = tpu.memref_slice %arg4[%add3A_26, %dma_wait3A_205] : memref<1638400x16xf32, #tpu.memory_space<hbm>> -> memref<2048x16xf32, #tpu.memory_space<hbm>>
      %dma_wait3A_207 = arith.constant 0 : i32
      %dma_wait3A_208 = tpu.memref_slice %arg4[%add3A_26, %dma_wait3A_207] : memref<1638400x16xf32, #tpu.memory_space<hbm>> -> memref<2048x16xf32, #tpu.memory_space<hbm>>
      tpu.wait_dma2 semaphore(%run_scoped3A : memref<!tpu.dma_semaphore, #tpu.memory_space<semaphore_mem>>) src(%arg6 : memref<2048x16xf32, #tpu.memory_space<vmem>>) dst(%dma_wait3A_208 : memref<2048x16xf32, #tpu.memory_space<hbm>>)
      tpu.yield
    }) : () -> ()
    %add3A_33 = arith.constant 8192 : i32
    %add3A_34 = arith.addi %mul3A_2, %add3A_33 : i32
    "tpu.region"() ({
      %run_scoped3A = tpu.sem_alloc : memref<!tpu.dma_semaphore, #tpu.memory_space<semaphore_mem>>
      %dma_start3A_201 = tpu.memref_slice %arg3[%add3A_34] : memref<1638400xi32, #tpu.memory_space<hbm>> -> memref<2048xi32, #tpu.memory_space<hbm>>
      %dma_start3A_202 = tpu.memref_slice %arg3[%add3A_34] : memref<1638400xi32, #tpu.memory_space<hbm>> -> memref<2048xi32, #tpu.memory_space<hbm>>
      tpu.enqueue_dma source(%dma_start3A_202 : memref<2048xi32, #tpu.memory_space<hbm>>) target(%arg5 : memref<2048xi32, #tpu.memory_space<vmem>>) target_semaphore(%run_scoped3A : memref<!tpu.dma_semaphore, #tpu.memory_space<semaphore_mem>>)
      %dma_wait3A_203 = tpu.memref_slice %arg3[%add3A_34] : memref<1638400xi32, #tpu.memory_space<hbm>> -> memref<2048xi32, #tpu.memory_space<hbm>>
      %dma_wait3A_204 = tpu.memref_slice %arg3[%add3A_34] : memref<1638400xi32, #tpu.memory_space<hbm>> -> memref<2048xi32, #tpu.memory_space<hbm>>
      tpu.wait_dma2 semaphore(%run_scoped3A : memref<!tpu.dma_semaphore, #tpu.memory_space<semaphore_mem>>) src(%dma_wait3A_204 : memref<2048xi32, #tpu.memory_space<hbm>>) dst(%arg5 : memref<2048xi32, #tpu.memory_space<vmem>>)
      tpu.yield
    }) : () -> ()
    %dma_start3A_35 = arith.constant 0 : i32
    %dma_start3A_36 = arith.constant 0 : i32
    %dma_start3A_37 = tpu.memref_slice %arg2[%dma_start3A_35, %dma_start3A_36] : memref<64x16xf32, #tpu.memory_space<hbm>> -> memref<64x16xf32, #tpu.memory_space<hbm>>
    tpu.enqueue_indirect_dma source(%dma_start3A_37 : memref<64x16xf32, #tpu.memory_space<hbm>>) target(%arg6 : memref<2048x16xf32, #tpu.memory_space<vmem>>) offsets(%arg5 : memref<2048xi32, #tpu.memory_space<vmem>>) semaphore(%arg7 : memref<!tpu.dma_semaphore, #tpu.memory_space<semaphore_mem>>)
    %dma_wait3A_38 = arith.constant 0 : i32
    %dma_wait3A_39 = arith.constant 0 : i32
    %dma_wait3A_40 = tpu.memref_slice %arg2[%dma_wait3A_38, %dma_wait3A_39] : memref<64x16xf32, #tpu.memory_space<hbm>> -> memref<64x16xf32, #tpu.memory_space<hbm>>
    tpu.wait_indirect_dma semaphore(%arg7 : memref<!tpu.dma_semaphore, #tpu.memory_space<semaphore_mem>>) src(%dma_wait3A_40 : memref<64x16xf32, #tpu.memory_space<hbm>>) dst(%arg6 : memref<2048x16xf32, #tpu.memory_space<vmem>>)
    "tpu.region"() ({
      %run_scoped3A = tpu.sem_alloc : memref<!tpu.dma_semaphore, #tpu.memory_space<semaphore_mem>>
      %dma_start3A_201 = arith.constant 0 : i32
      %dma_start3A_202 = tpu.memref_slice %arg4[%add3A_34, %dma_start3A_201] : memref<1638400x16xf32, #tpu.memory_space<hbm>> -> memref<2048x16xf32, #tpu.memory_space<hbm>>
      %dma_start3A_203 = arith.constant 0 : i32
      %dma_start3A_204 = tpu.memref_slice %arg4[%add3A_34, %dma_start3A_203] : memref<1638400x16xf32, #tpu.memory_space<hbm>> -> memref<2048x16xf32, #tpu.memory_space<hbm>>
      tpu.enqueue_dma source(%arg6 : memref<2048x16xf32, #tpu.memory_space<vmem>>) target(%dma_start3A_204 : memref<2048x16xf32, #tpu.memory_space<hbm>>) target_semaphore(%run_scoped3A : memref<!tpu.dma_semaphore, #tpu.memory_space<semaphore_mem>>)
      %dma_wait3A_205 = arith.constant 0 : i32
      %dma_wait3A_206 = tpu.memref_slice %arg4[%add3A_34, %dma_wait3A_205] : memref<1638400x16xf32, #tpu.memory_space<hbm>> -> memref<2048x16xf32, #tpu.memory_space<hbm>>
      %dma_wait3A_207 = arith.constant 0 : i32
      %dma_wait3A_208 = tpu.memref_slice %arg4[%add3A_34, %dma_wait3A_207] : memref<1638400x16xf32, #tpu.memory_space<hbm>> -> memref<2048x16xf32, #tpu.memory_space<hbm>>
      tpu.wait_dma2 semaphore(%run_scoped3A : memref<!tpu.dma_semaphore, #tpu.memory_space<semaphore_mem>>) src(%arg6 : memref<2048x16xf32, #tpu.memory_space<vmem>>) dst(%dma_wait3A_208 : memref<2048x16xf32, #tpu.memory_space<hbm>>)
      tpu.yield
    }) : () -> ()
    %add3A_41 = arith.constant 10240 : i32
    %add3A_42 = arith.addi %mul3A_2, %add3A_41 : i32
    "tpu.region"() ({
      %run_scoped3A = tpu.sem_alloc : memref<!tpu.dma_semaphore, #tpu.memory_space<semaphore_mem>>
      %dma_start3A_201 = tpu.memref_slice %arg3[%add3A_42] : memref<1638400xi32, #tpu.memory_space<hbm>> -> memref<2048xi32, #tpu.memory_space<hbm>>
      %dma_start3A_202 = tpu.memref_slice %arg3[%add3A_42] : memref<1638400xi32, #tpu.memory_space<hbm>> -> memref<2048xi32, #tpu.memory_space<hbm>>
      tpu.enqueue_dma source(%dma_start3A_202 : memref<2048xi32, #tpu.memory_space<hbm>>) target(%arg5 : memref<2048xi32, #tpu.memory_space<vmem>>) target_semaphore(%run_scoped3A : memref<!tpu.dma_semaphore, #tpu.memory_space<semaphore_mem>>)
      %dma_wait3A_203 = tpu.memref_slice %arg3[%add3A_42] : memref<1638400xi32, #tpu.memory_space<hbm>> -> memref<2048xi32, #tpu.memory_space<hbm>>
      %dma_wait3A_204 = tpu.memref_slice %arg3[%add3A_42] : memref<1638400xi32, #tpu.memory_space<hbm>> -> memref<2048xi32, #tpu.memory_space<hbm>>
      tpu.wait_dma2 semaphore(%run_scoped3A : memref<!tpu.dma_semaphore, #tpu.memory_space<semaphore_mem>>) src(%dma_wait3A_204 : memref<2048xi32, #tpu.memory_space<hbm>>) dst(%arg5 : memref<2048xi32, #tpu.memory_space<vmem>>)
      tpu.yield
    }) : () -> ()
    %dma_start3A_43 = arith.constant 0 : i32
    %dma_start3A_44 = arith.constant 0 : i32
    %dma_start3A_45 = tpu.memref_slice %arg2[%dma_start3A_43, %dma_start3A_44] : memref<64x16xf32, #tpu.memory_space<hbm>> -> memref<64x16xf32, #tpu.memory_space<hbm>>
    tpu.enqueue_indirect_dma source(%dma_start3A_45 : memref<64x16xf32, #tpu.memory_space<hbm>>) target(%arg6 : memref<2048x16xf32, #tpu.memory_space<vmem>>) offsets(%arg5 : memref<2048xi32, #tpu.memory_space<vmem>>) semaphore(%arg7 : memref<!tpu.dma_semaphore, #tpu.memory_space<semaphore_mem>>)
    %dma_wait3A_46 = arith.constant 0 : i32
    %dma_wait3A_47 = arith.constant 0 : i32
    %dma_wait3A_48 = tpu.memref_slice %arg2[%dma_wait3A_46, %dma_wait3A_47] : memref<64x16xf32, #tpu.memory_space<hbm>> -> memref<64x16xf32, #tpu.memory_space<hbm>>
    tpu.wait_indirect_dma semaphore(%arg7 : memref<!tpu.dma_semaphore, #tpu.memory_space<semaphore_mem>>) src(%dma_wait3A_48 : memref<64x16xf32, #tpu.memory_space<hbm>>) dst(%arg6 : memref<2048x16xf32, #tpu.memory_space<vmem>>)
    "tpu.region"() ({
      %run_scoped3A = tpu.sem_alloc : memref<!tpu.dma_semaphore, #tpu.memory_space<semaphore_mem>>
      %dma_start3A_201 = arith.constant 0 : i32
      %dma_start3A_202 = tpu.memref_slice %arg4[%add3A_42, %dma_start3A_201] : memref<1638400x16xf32, #tpu.memory_space<hbm>> -> memref<2048x16xf32, #tpu.memory_space<hbm>>
      %dma_start3A_203 = arith.constant 0 : i32
      %dma_start3A_204 = tpu.memref_slice %arg4[%add3A_42, %dma_start3A_203] : memref<1638400x16xf32, #tpu.memory_space<hbm>> -> memref<2048x16xf32, #tpu.memory_space<hbm>>
      tpu.enqueue_dma source(%arg6 : memref<2048x16xf32, #tpu.memory_space<vmem>>) target(%dma_start3A_204 : memref<2048x16xf32, #tpu.memory_space<hbm>>) target_semaphore(%run_scoped3A : memref<!tpu.dma_semaphore, #tpu.memory_space<semaphore_mem>>)
      %dma_wait3A_205 = arith.constant 0 : i32
      %dma_wait3A_206 = tpu.memref_slice %arg4[%add3A_42, %dma_wait3A_205] : memref<1638400x16xf32, #tpu.memory_space<hbm>> -> memref<2048x16xf32, #tpu.memory_space<hbm>>
      %dma_wait3A_207 = arith.constant 0 : i32
      %dma_wait3A_208 = tpu.memref_slice %arg4[%add3A_42, %dma_wait3A_207] : memref<1638400x16xf32, #tpu.memory_space<hbm>> -> memref<2048x16xf32, #tpu.memory_space<hbm>>
      tpu.wait_dma2 semaphore(%run_scoped3A : memref<!tpu.dma_semaphore, #tpu.memory_space<semaphore_mem>>) src(%arg6 : memref<2048x16xf32, #tpu.memory_space<vmem>>) dst(%dma_wait3A_208 : memref<2048x16xf32, #tpu.memory_space<hbm>>)
      tpu.yield
    }) : () -> ()
    %add3A_49 = arith.constant 12288 : i32
    %add3A_50 = arith.addi %mul3A_2, %add3A_49 : i32
    "tpu.region"() ({
      %run_scoped3A = tpu.sem_alloc : memref<!tpu.dma_semaphore, #tpu.memory_space<semaphore_mem>>
      %dma_start3A_201 = tpu.memref_slice %arg3[%add3A_50] : memref<1638400xi32, #tpu.memory_space<hbm>> -> memref<2048xi32, #tpu.memory_space<hbm>>
      %dma_start3A_202 = tpu.memref_slice %arg3[%add3A_50] : memref<1638400xi32, #tpu.memory_space<hbm>> -> memref<2048xi32, #tpu.memory_space<hbm>>
      tpu.enqueue_dma source(%dma_start3A_202 : memref<2048xi32, #tpu.memory_space<hbm>>) target(%arg5 : memref<2048xi32, #tpu.memory_space<vmem>>) target_semaphore(%run_scoped3A : memref<!tpu.dma_semaphore, #tpu.memory_space<semaphore_mem>>)
      %dma_wait3A_203 = tpu.memref_slice %arg3[%add3A_50] : memref<1638400xi32, #tpu.memory_space<hbm>> -> memref<2048xi32, #tpu.memory_space<hbm>>
      %dma_wait3A_204 = tpu.memref_slice %arg3[%add3A_50] : memref<1638400xi32, #tpu.memory_space<hbm>> -> memref<2048xi32, #tpu.memory_space<hbm>>
      tpu.wait_dma2 semaphore(%run_scoped3A : memref<!tpu.dma_semaphore, #tpu.memory_space<semaphore_mem>>) src(%dma_wait3A_204 : memref<2048xi32, #tpu.memory_space<hbm>>) dst(%arg5 : memref<2048xi32, #tpu.memory_space<vmem>>)
      tpu.yield
    }) : () -> ()
    %dma_start3A_51 = arith.constant 0 : i32
    %dma_start3A_52 = arith.constant 0 : i32
    %dma_start3A_53 = tpu.memref_slice %arg2[%dma_start3A_51, %dma_start3A_52] : memref<64x16xf32, #tpu.memory_space<hbm>> -> memref<64x16xf32, #tpu.memory_space<hbm>>
    tpu.enqueue_indirect_dma source(%dma_start3A_53 : memref<64x16xf32, #tpu.memory_space<hbm>>) target(%arg6 : memref<2048x16xf32, #tpu.memory_space<vmem>>) offsets(%arg5 : memref<2048xi32, #tpu.memory_space<vmem>>) semaphore(%arg7 : memref<!tpu.dma_semaphore, #tpu.memory_space<semaphore_mem>>)
    %dma_wait3A_54 = arith.constant 0 : i32
    %dma_wait3A_55 = arith.constant 0 : i32
    %dma_wait3A_56 = tpu.memref_slice %arg2[%dma_wait3A_54, %dma_wait3A_55] : memref<64x16xf32, #tpu.memory_space<hbm>> -> memref<64x16xf32, #tpu.memory_space<hbm>>
    tpu.wait_indirect_dma semaphore(%arg7 : memref<!tpu.dma_semaphore, #tpu.memory_space<semaphore_mem>>) src(%dma_wait3A_56 : memref<64x16xf32, #tpu.memory_space<hbm>>) dst(%arg6 : memref<2048x16xf32, #tpu.memory_space<vmem>>)
    "tpu.region"() ({
      %run_scoped3A = tpu.sem_alloc : memref<!tpu.dma_semaphore, #tpu.memory_space<semaphore_mem>>
      %dma_start3A_201 = arith.constant 0 : i32
      %dma_start3A_202 = tpu.memref_slice %arg4[%add3A_50, %dma_start3A_201] : memref<1638400x16xf32, #tpu.memory_space<hbm>> -> memref<2048x16xf32, #tpu.memory_space<hbm>>
      %dma_start3A_203 = arith.constant 0 : i32
      %dma_start3A_204 = tpu.memref_slice %arg4[%add3A_50, %dma_start3A_203] : memref<1638400x16xf32, #tpu.memory_space<hbm>> -> memref<2048x16xf32, #tpu.memory_space<hbm>>
      tpu.enqueue_dma source(%arg6 : memref<2048x16xf32, #tpu.memory_space<vmem>>) target(%dma_start3A_204 : memref<2048x16xf32, #tpu.memory_space<hbm>>) target_semaphore(%run_scoped3A : memref<!tpu.dma_semaphore, #tpu.memory_space<semaphore_mem>>)
      %dma_wait3A_205 = arith.constant 0 : i32
      %dma_wait3A_206 = tpu.memref_slice %arg4[%add3A_50, %dma_wait3A_205] : memref<1638400x16xf32, #tpu.memory_space<hbm>> -> memref<2048x16xf32, #tpu.memory_space<hbm>>
      %dma_wait3A_207 = arith.constant 0 : i32
      %dma_wait3A_208 = tpu.memref_slice %arg4[%add3A_50, %dma_wait3A_207] : memref<1638400x16xf32, #tpu.memory_space<hbm>> -> memref<2048x16xf32, #tpu.memory_space<hbm>>
      tpu.wait_dma2 semaphore(%run_scoped3A : memref<!tpu.dma_semaphore, #tpu.memory_space<semaphore_mem>>) src(%arg6 : memref<2048x16xf32, #tpu.memory_space<vmem>>) dst(%dma_wait3A_208 : memref<2048x16xf32, #tpu.memory_space<hbm>>)
      tpu.yield
    }) : () -> ()
    %add3A_57 = arith.constant 14336 : i32
    %add3A_58 = arith.addi %mul3A_2, %add3A_57 : i32
    "tpu.region"() ({
      %run_scoped3A = tpu.sem_alloc : memref<!tpu.dma_semaphore, #tpu.memory_space<semaphore_mem>>
      %dma_start3A_201 = tpu.memref_slice %arg3[%add3A_58] : memref<1638400xi32, #tpu.memory_space<hbm>> -> memref<2048xi32, #tpu.memory_space<hbm>>
      %dma_start3A_202 = tpu.memref_slice %arg3[%add3A_58] : memref<1638400xi32, #tpu.memory_space<hbm>> -> memref<2048xi32, #tpu.memory_space<hbm>>
      tpu.enqueue_dma source(%dma_start3A_202 : memref<2048xi32, #tpu.memory_space<hbm>>) target(%arg5 : memref<2048xi32, #tpu.memory_space<vmem>>) target_semaphore(%run_scoped3A : memref<!tpu.dma_semaphore, #tpu.memory_space<semaphore_mem>>)
      %dma_wait3A_203 = tpu.memref_slice %arg3[%add3A_58] : memref<1638400xi32, #tpu.memory_space<hbm>> -> memref<2048xi32, #tpu.memory_space<hbm>>
      %dma_wait3A_204 = tpu.memref_slice %arg3[%add3A_58] : memref<1638400xi32, #tpu.memory_space<hbm>> -> memref<2048xi32, #tpu.memory_space<hbm>>
      tpu.wait_dma2 semaphore(%run_scoped3A : memref<!tpu.dma_semaphore, #tpu.memory_space<semaphore_mem>>) src(%dma_wait3A_204 : memref<2048xi32, #tpu.memory_space<hbm>>) dst(%arg5 : memref<2048xi32, #tpu.memory_space<vmem>>)
      tpu.yield
    }) : () -> ()
    %dma_start3A_59 = arith.constant 0 : i32
    %dma_start3A_60 = arith.constant 0 : i32
    %dma_start3A_61 = tpu.memref_slice %arg2[%dma_start3A_59, %dma_start3A_60] : memref<64x16xf32, #tpu.memory_space<hbm>> -> memref<64x16xf32, #tpu.memory_space<hbm>>
    tpu.enqueue_indirect_dma source(%dma_start3A_61 : memref<64x16xf32, #tpu.memory_space<hbm>>) target(%arg6 : memref<2048x16xf32, #tpu.memory_space<vmem>>) offsets(%arg5 : memref<2048xi32, #tpu.memory_space<vmem>>) semaphore(%arg7 : memref<!tpu.dma_semaphore, #tpu.memory_space<semaphore_mem>>)
    %dma_wait3A_62 = arith.constant 0 : i32
    %dma_wait3A_63 = arith.constant 0 : i32
    %dma_wait3A_64 = tpu.memref_slice %arg2[%dma_wait3A_62, %dma_wait3A_63] : memref<64x16xf32, #tpu.memory_space<hbm>> -> memref<64x16xf32, #tpu.memory_space<hbm>>
    tpu.wait_indirect_dma semaphore(%arg7 : memref<!tpu.dma_semaphore, #tpu.memory_space<semaphore_mem>>) src(%dma_wait3A_64 : memref<64x16xf32, #tpu.memory_space<hbm>>) dst(%arg6 : memref<2048x16xf32, #tpu.memory_space<vmem>>)
    "tpu.region"() ({
      %run_scoped3A = tpu.sem_alloc : memref<!tpu.dma_semaphore, #tpu.memory_space<semaphore_mem>>
      %dma_start3A_201 = arith.constant 0 : i32
      %dma_start3A_202 = tpu.memref_slice %arg4[%add3A_58, %dma_start3A_201] : memref<1638400x16xf32, #tpu.memory_space<hbm>> -> memref<2048x16xf32, #tpu.memory_space<hbm>>
      %dma_start3A_203 = arith.constant 0 : i32
      %dma_start3A_204 = tpu.memref_slice %arg4[%add3A_58, %dma_start3A_203] : memref<1638400x16xf32, #tpu.memory_space<hbm>> -> memref<2048x16xf32, #tpu.memory_space<hbm>>
      tpu.enqueue_dma source(%arg6 : memref<2048x16xf32, #tpu.memory_space<vmem>>) target(%dma_start3A_204 : memref<2048x16xf32, #tpu.memory_space<hbm>>) target_semaphore(%run_scoped3A : memref<!tpu.dma_semaphore, #tpu.memory_space<semaphore_mem>>)
      %dma_wait3A_205 = arith.constant 0 : i32
      %dma_wait3A_206 = tpu.memref_slice %arg4[%add3A_58, %dma_wait3A_205] : memref<1638400x16xf32, #tpu.memory_space<hbm>> -> memref<2048x16xf32, #tpu.memory_space<hbm>>
      %dma_wait3A_207 = arith.constant 0 : i32
      %dma_wait3A_208 = tpu.memref_slice %arg4[%add3A_58, %dma_wait3A_207] : memref<1638400x16xf32, #tpu.memory_space<hbm>> -> memref<2048x16xf32, #tpu.memory_space<hbm>>
      tpu.wait_dma2 semaphore(%run_scoped3A : memref<!tpu.dma_semaphore, #tpu.memory_space<semaphore_mem>>) src(%arg6 : memref<2048x16xf32, #tpu.memory_space<vmem>>) dst(%dma_wait3A_208 : memref<2048x16xf32, #tpu.memory_space<hbm>>)
      tpu.yield
    }) : () -> ()
    %add3A_65 = arith.constant 16384 : i32
    %add3A_66 = arith.addi %mul3A_2, %add3A_65 : i32
    "tpu.region"() ({
      %run_scoped3A = tpu.sem_alloc : memref<!tpu.dma_semaphore, #tpu.memory_space<semaphore_mem>>
      %dma_start3A_201 = tpu.memref_slice %arg3[%add3A_66] : memref<1638400xi32, #tpu.memory_space<hbm>> -> memref<2048xi32, #tpu.memory_space<hbm>>
      %dma_start3A_202 = tpu.memref_slice %arg3[%add3A_66] : memref<1638400xi32, #tpu.memory_space<hbm>> -> memref<2048xi32, #tpu.memory_space<hbm>>
      tpu.enqueue_dma source(%dma_start3A_202 : memref<2048xi32, #tpu.memory_space<hbm>>) target(%arg5 : memref<2048xi32, #tpu.memory_space<vmem>>) target_semaphore(%run_scoped3A : memref<!tpu.dma_semaphore, #tpu.memory_space<semaphore_mem>>)
      %dma_wait3A_203 = tpu.memref_slice %arg3[%add3A_66] : memref<1638400xi32, #tpu.memory_space<hbm>> -> memref<2048xi32, #tpu.memory_space<hbm>>
      %dma_wait3A_204 = tpu.memref_slice %arg3[%add3A_66] : memref<1638400xi32, #tpu.memory_space<hbm>> -> memref<2048xi32, #tpu.memory_space<hbm>>
      tpu.wait_dma2 semaphore(%run_scoped3A : memref<!tpu.dma_semaphore, #tpu.memory_space<semaphore_mem>>) src(%dma_wait3A_204 : memref<2048xi32, #tpu.memory_space<hbm>>) dst(%arg5 : memref<2048xi32, #tpu.memory_space<vmem>>)
      tpu.yield
    }) : () -> ()
    %dma_start3A_67 = arith.constant 0 : i32
    %dma_start3A_68 = arith.constant 0 : i32
    %dma_start3A_69 = tpu.memref_slice %arg2[%dma_start3A_67, %dma_start3A_68] : memref<64x16xf32, #tpu.memory_space<hbm>> -> memref<64x16xf32, #tpu.memory_space<hbm>>
    tpu.enqueue_indirect_dma source(%dma_start3A_69 : memref<64x16xf32, #tpu.memory_space<hbm>>) target(%arg6 : memref<2048x16xf32, #tpu.memory_space<vmem>>) offsets(%arg5 : memref<2048xi32, #tpu.memory_space<vmem>>) semaphore(%arg7 : memref<!tpu.dma_semaphore, #tpu.memory_space<semaphore_mem>>)
    %dma_wait3A_70 = arith.constant 0 : i32
    %dma_wait3A_71 = arith.constant 0 : i32
    %dma_wait3A_72 = tpu.memref_slice %arg2[%dma_wait3A_70, %dma_wait3A_71] : memref<64x16xf32, #tpu.memory_space<hbm>> -> memref<64x16xf32, #tpu.memory_space<hbm>>
    tpu.wait_indirect_dma semaphore(%arg7 : memref<!tpu.dma_semaphore, #tpu.memory_space<semaphore_mem>>) src(%dma_wait3A_72 : memref<64x16xf32, #tpu.memory_space<hbm>>) dst(%arg6 : memref<2048x16xf32, #tpu.memory_space<vmem>>)
    "tpu.region"() ({
      %run_scoped3A = tpu.sem_alloc : memref<!tpu.dma_semaphore, #tpu.memory_space<semaphore_mem>>
      %dma_start3A_201 = arith.constant 0 : i32
      %dma_start3A_202 = tpu.memref_slice %arg4[%add3A_66, %dma_start3A_201] : memref<1638400x16xf32, #tpu.memory_space<hbm>> -> memref<2048x16xf32, #tpu.memory_space<hbm>>
      %dma_start3A_203 = arith.constant 0 : i32
      %dma_start3A_204 = tpu.memref_slice %arg4[%add3A_66, %dma_start3A_203] : memref<1638400x16xf32, #tpu.memory_space<hbm>> -> memref<2048x16xf32, #tpu.memory_space<hbm>>
      tpu.enqueue_dma source(%arg6 : memref<2048x16xf32, #tpu.memory_space<vmem>>) target(%dma_start3A_204 : memref<2048x16xf32, #tpu.memory_space<hbm>>) target_semaphore(%run_scoped3A : memref<!tpu.dma_semaphore, #tpu.memory_space<semaphore_mem>>)
      %dma_wait3A_205 = arith.constant 0 : i32
      %dma_wait3A_206 = tpu.memref_slice %arg4[%add3A_66, %dma_wait3A_205] : memref<1638400x16xf32, #tpu.memory_space<hbm>> -> memref<2048x16xf32, #tpu.memory_space<hbm>>
      %dma_wait3A_207 = arith.constant 0 : i32
      %dma_wait3A_208 = tpu.memref_slice %arg4[%add3A_66, %dma_wait3A_207] : memref<1638400x16xf32, #tpu.memory_space<hbm>> -> memref<2048x16xf32, #tpu.memory_space<hbm>>
      tpu.wait_dma2 semaphore(%run_scoped3A : memref<!tpu.dma_semaphore, #tpu.memory_space<semaphore_mem>>) src(%arg6 : memref<2048x16xf32, #tpu.memory_space<vmem>>) dst(%dma_wait3A_208 : memref<2048x16xf32, #tpu.memory_space<hbm>>)
      tpu.yield
    }) : () -> ()
    %add3A_73 = arith.constant 18432 : i32
    %add3A_74 = arith.addi %mul3A_2, %add3A_73 : i32
    "tpu.region"() ({
      %run_scoped3A = tpu.sem_alloc : memref<!tpu.dma_semaphore, #tpu.memory_space<semaphore_mem>>
      %dma_start3A_201 = tpu.memref_slice %arg3[%add3A_74] : memref<1638400xi32, #tpu.memory_space<hbm>> -> memref<2048xi32, #tpu.memory_space<hbm>>
      %dma_start3A_202 = tpu.memref_slice %arg3[%add3A_74] : memref<1638400xi32, #tpu.memory_space<hbm>> -> memref<2048xi32, #tpu.memory_space<hbm>>
      tpu.enqueue_dma source(%dma_start3A_202 : memref<2048xi32, #tpu.memory_space<hbm>>) target(%arg5 : memref<2048xi32, #tpu.memory_space<vmem>>) target_semaphore(%run_scoped3A : memref<!tpu.dma_semaphore, #tpu.memory_space<semaphore_mem>>)
      %dma_wait3A_203 = tpu.memref_slice %arg3[%add3A_74] : memref<1638400xi32, #tpu.memory_space<hbm>> -> memref<2048xi32, #tpu.memory_space<hbm>>
      %dma_wait3A_204 = tpu.memref_slice %arg3[%add3A_74] : memref<1638400xi32, #tpu.memory_space<hbm>> -> memref<2048xi32, #tpu.memory_space<hbm>>
      tpu.wait_dma2 semaphore(%run_scoped3A : memref<!tpu.dma_semaphore, #tpu.memory_space<semaphore_mem>>) src(%dma_wait3A_204 : memref<2048xi32, #tpu.memory_space<hbm>>) dst(%arg5 : memref<2048xi32, #tpu.memory_space<vmem>>)
      tpu.yield
    }) : () -> ()
    %dma_start3A_75 = arith.constant 0 : i32
    %dma_start3A_76 = arith.constant 0 : i32
    %dma_start3A_77 = tpu.memref_slice %arg2[%dma_start3A_75, %dma_start3A_76] : memref<64x16xf32, #tpu.memory_space<hbm>> -> memref<64x16xf32, #tpu.memory_space<hbm>>
    tpu.enqueue_indirect_dma source(%dma_start3A_77 : memref<64x16xf32, #tpu.memory_space<hbm>>) target(%arg6 : memref<2048x16xf32, #tpu.memory_space<vmem>>) offsets(%arg5 : memref<2048xi32, #tpu.memory_space<vmem>>) semaphore(%arg7 : memref<!tpu.dma_semaphore, #tpu.memory_space<semaphore_mem>>)
    %dma_wait3A_78 = arith.constant 0 : i32
    %dma_wait3A_79 = arith.constant 0 : i32
    %dma_wait3A_80 = tpu.memref_slice %arg2[%dma_wait3A_78, %dma_wait3A_79] : memref<64x16xf32, #tpu.memory_space<hbm>> -> memref<64x16xf32, #tpu.memory_space<hbm>>
    tpu.wait_indirect_dma semaphore(%arg7 : memref<!tpu.dma_semaphore, #tpu.memory_space<semaphore_mem>>) src(%dma_wait3A_80 : memref<64x16xf32, #tpu.memory_space<hbm>>) dst(%arg6 : memref<2048x16xf32, #tpu.memory_space<vmem>>)
    "tpu.region"() ({
      %run_scoped3A = tpu.sem_alloc : memref<!tpu.dma_semaphore, #tpu.memory_space<semaphore_mem>>
      %dma_start3A_201 = arith.constant 0 : i32
      %dma_start3A_202 = tpu.memref_slice %arg4[%add3A_74, %dma_start3A_201] : memref<1638400x16xf32, #tpu.memory_space<hbm>> -> memref<2048x16xf32, #tpu.memory_space<hbm>>
      %dma_start3A_203 = arith.constant 0 : i32
      %dma_start3A_204 = tpu.memref_slice %arg4[%add3A_74, %dma_start3A_203] : memref<1638400x16xf32, #tpu.memory_space<hbm>> -> memref<2048x16xf32, #tpu.memory_space<hbm>>
      tpu.enqueue_dma source(%arg6 : memref<2048x16xf32, #tpu.memory_space<vmem>>) target(%dma_start3A_204 : memref<2048x16xf32, #tpu.memory_space<hbm>>) target_semaphore(%run_scoped3A : memref<!tpu.dma_semaphore, #tpu.memory_space<semaphore_mem>>)
      %dma_wait3A_205 = arith.constant 0 : i32
      %dma_wait3A_206 = tpu.memref_slice %arg4[%add3A_74, %dma_wait3A_205] : memref<1638400x16xf32, #tpu.memory_space<hbm>> -> memref<2048x16xf32, #tpu.memory_space<hbm>>
      %dma_wait3A_207 = arith.constant 0 : i32
      %dma_wait3A_208 = tpu.memref_slice %arg4[%add3A_74, %dma_wait3A_207] : memref<1638400x16xf32, #tpu.memory_space<hbm>> -> memref<2048x16xf32, #tpu.memory_space<hbm>>
      tpu.wait_dma2 semaphore(%run_scoped3A : memref<!tpu.dma_semaphore, #tpu.memory_space<semaphore_mem>>) src(%arg6 : memref<2048x16xf32, #tpu.memory_space<vmem>>) dst(%dma_wait3A_208 : memref<2048x16xf32, #tpu.memory_space<hbm>>)
      tpu.yield
    }) : () -> ()
    %add3A_81 = arith.constant 20480 : i32
    %add3A_82 = arith.addi %mul3A_2, %add3A_81 : i32
    "tpu.region"() ({
      %run_scoped3A = tpu.sem_alloc : memref<!tpu.dma_semaphore, #tpu.memory_space<semaphore_mem>>
      %dma_start3A_201 = tpu.memref_slice %arg3[%add3A_82] : memref<1638400xi32, #tpu.memory_space<hbm>> -> memref<2048xi32, #tpu.memory_space<hbm>>
      %dma_start3A_202 = tpu.memref_slice %arg3[%add3A_82] : memref<1638400xi32, #tpu.memory_space<hbm>> -> memref<2048xi32, #tpu.memory_space<hbm>>
      tpu.enqueue_dma source(%dma_start3A_202 : memref<2048xi32, #tpu.memory_space<hbm>>) target(%arg5 : memref<2048xi32, #tpu.memory_space<vmem>>) target_semaphore(%run_scoped3A : memref<!tpu.dma_semaphore, #tpu.memory_space<semaphore_mem>>)
      %dma_wait3A_203 = tpu.memref_slice %arg3[%add3A_82] : memref<1638400xi32, #tpu.memory_space<hbm>> -> memref<2048xi32, #tpu.memory_space<hbm>>
      %dma_wait3A_204 = tpu.memref_slice %arg3[%add3A_82] : memref<1638400xi32, #tpu.memory_space<hbm>> -> memref<2048xi32, #tpu.memory_space<hbm>>
      tpu.wait_dma2 semaphore(%run_scoped3A : memref<!tpu.dma_semaphore, #tpu.memory_space<semaphore_mem>>) src(%dma_wait3A_204 : memref<2048xi32, #tpu.memory_space<hbm>>) dst(%arg5 : memref<2048xi32, #tpu.memory_space<vmem>>)
      tpu.yield
    }) : () -> ()
    %dma_start3A_83 = arith.constant 0 : i32
    %dma_start3A_84 = arith.constant 0 : i32
    %dma_start3A_85 = tpu.memref_slice %arg2[%dma_start3A_83, %dma_start3A_84] : memref<64x16xf32, #tpu.memory_space<hbm>> -> memref<64x16xf32, #tpu.memory_space<hbm>>
    tpu.enqueue_indirect_dma source(%dma_start3A_85 : memref<64x16xf32, #tpu.memory_space<hbm>>) target(%arg6 : memref<2048x16xf32, #tpu.memory_space<vmem>>) offsets(%arg5 : memref<2048xi32, #tpu.memory_space<vmem>>) semaphore(%arg7 : memref<!tpu.dma_semaphore, #tpu.memory_space<semaphore_mem>>)
    %dma_wait3A_86 = arith.constant 0 : i32
    %dma_wait3A_87 = arith.constant 0 : i32
    %dma_wait3A_88 = tpu.memref_slice %arg2[%dma_wait3A_86, %dma_wait3A_87] : memref<64x16xf32, #tpu.memory_space<hbm>> -> memref<64x16xf32, #tpu.memory_space<hbm>>
    tpu.wait_indirect_dma semaphore(%arg7 : memref<!tpu.dma_semaphore, #tpu.memory_space<semaphore_mem>>) src(%dma_wait3A_88 : memref<64x16xf32, #tpu.memory_space<hbm>>) dst(%arg6 : memref<2048x16xf32, #tpu.memory_space<vmem>>)
    "tpu.region"() ({
      %run_scoped3A = tpu.sem_alloc : memref<!tpu.dma_semaphore, #tpu.memory_space<semaphore_mem>>
      %dma_start3A_201 = arith.constant 0 : i32
      %dma_start3A_202 = tpu.memref_slice %arg4[%add3A_82, %dma_start3A_201] : memref<1638400x16xf32, #tpu.memory_space<hbm>> -> memref<2048x16xf32, #tpu.memory_space<hbm>>
      %dma_start3A_203 = arith.constant 0 : i32
      %dma_start3A_204 = tpu.memref_slice %arg4[%add3A_82, %dma_start3A_203] : memref<1638400x16xf32, #tpu.memory_space<hbm>> -> memref<2048x16xf32, #tpu.memory_space<hbm>>
      tpu.enqueue_dma source(%arg6 : memref<2048x16xf32, #tpu.memory_space<vmem>>) target(%dma_start3A_204 : memref<2048x16xf32, #tpu.memory_space<hbm>>) target_semaphore(%run_scoped3A : memref<!tpu.dma_semaphore, #tpu.memory_space<semaphore_mem>>)
      %dma_wait3A_205 = arith.constant 0 : i32
      %dma_wait3A_206 = tpu.memref_slice %arg4[%add3A_82, %dma_wait3A_205] : memref<1638400x16xf32, #tpu.memory_space<hbm>> -> memref<2048x16xf32, #tpu.memory_space<hbm>>
      %dma_wait3A_207 = arith.constant 0 : i32
      %dma_wait3A_208 = tpu.memref_slice %arg4[%add3A_82, %dma_wait3A_207] : memref<1638400x16xf32, #tpu.memory_space<hbm>> -> memref<2048x16xf32, #tpu.memory_space<hbm>>
      tpu.wait_dma2 semaphore(%run_scoped3A : memref<!tpu.dma_semaphore, #tpu.memory_space<semaphore_mem>>) src(%arg6 : memref<2048x16xf32, #tpu.memory_space<vmem>>) dst(%dma_wait3A_208 : memref<2048x16xf32, #tpu.memory_space<hbm>>)
      tpu.yield
    }) : () -> ()
    %add3A_89 = arith.constant 22528 : i32
    %add3A_90 = arith.addi %mul3A_2, %add3A_89 : i32
    "tpu.region"() ({
      %run_scoped3A = tpu.sem_alloc : memref<!tpu.dma_semaphore, #tpu.memory_space<semaphore_mem>>
      %dma_start3A_201 = tpu.memref_slice %arg3[%add3A_90] : memref<1638400xi32, #tpu.memory_space<hbm>> -> memref<2048xi32, #tpu.memory_space<hbm>>
      %dma_start3A_202 = tpu.memref_slice %arg3[%add3A_90] : memref<1638400xi32, #tpu.memory_space<hbm>> -> memref<2048xi32, #tpu.memory_space<hbm>>
      tpu.enqueue_dma source(%dma_start3A_202 : memref<2048xi32, #tpu.memory_space<hbm>>) target(%arg5 : memref<2048xi32, #tpu.memory_space<vmem>>) target_semaphore(%run_scoped3A : memref<!tpu.dma_semaphore, #tpu.memory_space<semaphore_mem>>)
      %dma_wait3A_203 = tpu.memref_slice %arg3[%add3A_90] : memref<1638400xi32, #tpu.memory_space<hbm>> -> memref<2048xi32, #tpu.memory_space<hbm>>
      %dma_wait3A_204 = tpu.memref_slice %arg3[%add3A_90] : memref<1638400xi32, #tpu.memory_space<hbm>> -> memref<2048xi32, #tpu.memory_space<hbm>>
      tpu.wait_dma2 semaphore(%run_scoped3A : memref<!tpu.dma_semaphore, #tpu.memory_space<semaphore_mem>>) src(%dma_wait3A_204 : memref<2048xi32, #tpu.memory_space<hbm>>) dst(%arg5 : memref<2048xi32, #tpu.memory_space<vmem>>)
      tpu.yield
    }) : () -> ()
    %dma_start3A_91 = arith.constant 0 : i32
    %dma_start3A_92 = arith.constant 0 : i32
    %dma_start3A_93 = tpu.memref_slice %arg2[%dma_start3A_91, %dma_start3A_92] : memref<64x16xf32, #tpu.memory_space<hbm>> -> memref<64x16xf32, #tpu.memory_space<hbm>>
    tpu.enqueue_indirect_dma source(%dma_start3A_93 : memref<64x16xf32, #tpu.memory_space<hbm>>) target(%arg6 : memref<2048x16xf32, #tpu.memory_space<vmem>>) offsets(%arg5 : memref<2048xi32, #tpu.memory_space<vmem>>) semaphore(%arg7 : memref<!tpu.dma_semaphore, #tpu.memory_space<semaphore_mem>>)
    %dma_wait3A_94 = arith.constant 0 : i32
    %dma_wait3A_95 = arith.constant 0 : i32
    %dma_wait3A_96 = tpu.memref_slice %arg2[%dma_wait3A_94, %dma_wait3A_95] : memref<64x16xf32, #tpu.memory_space<hbm>> -> memref<64x16xf32, #tpu.memory_space<hbm>>
    tpu.wait_indirect_dma semaphore(%arg7 : memref<!tpu.dma_semaphore, #tpu.memory_space<semaphore_mem>>) src(%dma_wait3A_96 : memref<64x16xf32, #tpu.memory_space<hbm>>) dst(%arg6 : memref<2048x16xf32, #tpu.memory_space<vmem>>)
    "tpu.region"() ({
      %run_scoped3A = tpu.sem_alloc : memref<!tpu.dma_semaphore, #tpu.memory_space<semaphore_mem>>
      %dma_start3A_201 = arith.constant 0 : i32
      %dma_start3A_202 = tpu.memref_slice %arg4[%add3A_90, %dma_start3A_201] : memref<1638400x16xf32, #tpu.memory_space<hbm>> -> memref<2048x16xf32, #tpu.memory_space<hbm>>
      %dma_start3A_203 = arith.constant 0 : i32
      %dma_start3A_204 = tpu.memref_slice %arg4[%add3A_90, %dma_start3A_203] : memref<1638400x16xf32, #tpu.memory_space<hbm>> -> memref<2048x16xf32, #tpu.memory_space<hbm>>
      tpu.enqueue_dma source(%arg6 : memref<2048x16xf32, #tpu.memory_space<vmem>>) target(%dma_start3A_204 : memref<2048x16xf32, #tpu.memory_space<hbm>>) target_semaphore(%run_scoped3A : memref<!tpu.dma_semaphore, #tpu.memory_space<semaphore_mem>>)
      %dma_wait3A_205 = arith.constant 0 : i32
      %dma_wait3A_206 = tpu.memref_slice %arg4[%add3A_90, %dma_wait3A_205] : memref<1638400x16xf32, #tpu.memory_space<hbm>> -> memref<2048x16xf32, #tpu.memory_space<hbm>>
      %dma_wait3A_207 = arith.constant 0 : i32
      %dma_wait3A_208 = tpu.memref_slice %arg4[%add3A_90, %dma_wait3A_207] : memref<1638400x16xf32, #tpu.memory_space<hbm>> -> memref<2048x16xf32, #tpu.memory_space<hbm>>
      tpu.wait_dma2 semaphore(%run_scoped3A : memref<!tpu.dma_semaphore, #tpu.memory_space<semaphore_mem>>) src(%arg6 : memref<2048x16xf32, #tpu.memory_space<vmem>>) dst(%dma_wait3A_208 : memref<2048x16xf32, #tpu.memory_space<hbm>>)
      tpu.yield
    }) : () -> ()
    %add3A_97 = arith.constant 24576 : i32
    %add3A_98 = arith.addi %mul3A_2, %add3A_97 : i32
    "tpu.region"() ({
      %run_scoped3A = tpu.sem_alloc : memref<!tpu.dma_semaphore, #tpu.memory_space<semaphore_mem>>
      %dma_start3A_201 = tpu.memref_slice %arg3[%add3A_98] : memref<1638400xi32, #tpu.memory_space<hbm>> -> memref<2048xi32, #tpu.memory_space<hbm>>
      %dma_start3A_202 = tpu.memref_slice %arg3[%add3A_98] : memref<1638400xi32, #tpu.memory_space<hbm>> -> memref<2048xi32, #tpu.memory_space<hbm>>
      tpu.enqueue_dma source(%dma_start3A_202 : memref<2048xi32, #tpu.memory_space<hbm>>) target(%arg5 : memref<2048xi32, #tpu.memory_space<vmem>>) target_semaphore(%run_scoped3A : memref<!tpu.dma_semaphore, #tpu.memory_space<semaphore_mem>>)
      %dma_wait3A_203 = tpu.memref_slice %arg3[%add3A_98] : memref<1638400xi32, #tpu.memory_space<hbm>> -> memref<2048xi32, #tpu.memory_space<hbm>>
      %dma_wait3A_204 = tpu.memref_slice %arg3[%add3A_98] : memref<1638400xi32, #tpu.memory_space<hbm>> -> memref<2048xi32, #tpu.memory_space<hbm>>
      tpu.wait_dma2 semaphore(%run_scoped3A : memref<!tpu.dma_semaphore, #tpu.memory_space<semaphore_mem>>) src(%dma_wait3A_204 : memref<2048xi32, #tpu.memory_space<hbm>>) dst(%arg5 : memref<2048xi32, #tpu.memory_space<vmem>>)
      tpu.yield
    }) : () -> ()
    %dma_start3A_99 = arith.constant 0 : i32
    %dma_start3A_100 = arith.constant 0 : i32
    %dma_start3A_101 = tpu.memref_slice %arg2[%dma_start3A_99, %dma_start3A_100] : memref<64x16xf32, #tpu.memory_space<hbm>> -> memref<64x16xf32, #tpu.memory_space<hbm>>
    tpu.enqueue_indirect_dma source(%dma_start3A_101 : memref<64x16xf32, #tpu.memory_space<hbm>>) target(%arg6 : memref<2048x16xf32, #tpu.memory_space<vmem>>) offsets(%arg5 : memref<2048xi32, #tpu.memory_space<vmem>>) semaphore(%arg7 : memref<!tpu.dma_semaphore, #tpu.memory_space<semaphore_mem>>)
    %dma_wait3A_102 = arith.constant 0 : i32
    %dma_wait3A_103 = arith.constant 0 : i32
    %dma_wait3A_104 = tpu.memref_slice %arg2[%dma_wait3A_102, %dma_wait3A_103] : memref<64x16xf32, #tpu.memory_space<hbm>> -> memref<64x16xf32, #tpu.memory_space<hbm>>
    tpu.wait_indirect_dma semaphore(%arg7 : memref<!tpu.dma_semaphore, #tpu.memory_space<semaphore_mem>>) src(%dma_wait3A_104 : memref<64x16xf32, #tpu.memory_space<hbm>>) dst(%arg6 : memref<2048x16xf32, #tpu.memory_space<vmem>>)
    "tpu.region"() ({
      %run_scoped3A = tpu.sem_alloc : memref<!tpu.dma_semaphore, #tpu.memory_space<semaphore_mem>>
      %dma_start3A_201 = arith.constant 0 : i32
      %dma_start3A_202 = tpu.memref_slice %arg4[%add3A_98, %dma_start3A_201] : memref<1638400x16xf32, #tpu.memory_space<hbm>> -> memref<2048x16xf32, #tpu.memory_space<hbm>>
      %dma_start3A_203 = arith.constant 0 : i32
      %dma_start3A_204 = tpu.memref_slice %arg4[%add3A_98, %dma_start3A_203] : memref<1638400x16xf32, #tpu.memory_space<hbm>> -> memref<2048x16xf32, #tpu.memory_space<hbm>>
      tpu.enqueue_dma source(%arg6 : memref<2048x16xf32, #tpu.memory_space<vmem>>) target(%dma_start3A_204 : memref<2048x16xf32, #tpu.memory_space<hbm>>) target_semaphore(%run_scoped3A : memref<!tpu.dma_semaphore, #tpu.memory_space<semaphore_mem>>)
      %dma_wait3A_205 = arith.constant 0 : i32
      %dma_wait3A_206 = tpu.memref_slice %arg4[%add3A_98, %dma_wait3A_205] : memref<1638400x16xf32, #tpu.memory_space<hbm>> -> memref<2048x16xf32, #tpu.memory_space<hbm>>
      %dma_wait3A_207 = arith.constant 0 : i32
      %dma_wait3A_208 = tpu.memref_slice %arg4[%add3A_98, %dma_wait3A_207] : memref<1638400x16xf32, #tpu.memory_space<hbm>> -> memref<2048x16xf32, #tpu.memory_space<hbm>>
      tpu.wait_dma2 semaphore(%run_scoped3A : memref<!tpu.dma_semaphore, #tpu.memory_space<semaphore_mem>>) src(%arg6 : memref<2048x16xf32, #tpu.memory_space<vmem>>) dst(%dma_wait3A_208 : memref<2048x16xf32, #tpu.memory_space<hbm>>)
      tpu.yield
    }) : () -> ()
    %add3A_105 = arith.constant 26624 : i32
    %add3A_106 = arith.addi %mul3A_2, %add3A_105 : i32
    "tpu.region"() ({
      %run_scoped3A = tpu.sem_alloc : memref<!tpu.dma_semaphore, #tpu.memory_space<semaphore_mem>>
      %dma_start3A_201 = tpu.memref_slice %arg3[%add3A_106] : memref<1638400xi32, #tpu.memory_space<hbm>> -> memref<2048xi32, #tpu.memory_space<hbm>>
      %dma_start3A_202 = tpu.memref_slice %arg3[%add3A_106] : memref<1638400xi32, #tpu.memory_space<hbm>> -> memref<2048xi32, #tpu.memory_space<hbm>>
      tpu.enqueue_dma source(%dma_start3A_202 : memref<2048xi32, #tpu.memory_space<hbm>>) target(%arg5 : memref<2048xi32, #tpu.memory_space<vmem>>) target_semaphore(%run_scoped3A : memref<!tpu.dma_semaphore, #tpu.memory_space<semaphore_mem>>)
      %dma_wait3A_203 = tpu.memref_slice %arg3[%add3A_106] : memref<1638400xi32, #tpu.memory_space<hbm>> -> memref<2048xi32, #tpu.memory_space<hbm>>
      %dma_wait3A_204 = tpu.memref_slice %arg3[%add3A_106] : memref<1638400xi32, #tpu.memory_space<hbm>> -> memref<2048xi32, #tpu.memory_space<hbm>>
      tpu.wait_dma2 semaphore(%run_scoped3A : memref<!tpu.dma_semaphore, #tpu.memory_space<semaphore_mem>>) src(%dma_wait3A_204 : memref<2048xi32, #tpu.memory_space<hbm>>) dst(%arg5 : memref<2048xi32, #tpu.memory_space<vmem>>)
      tpu.yield
    }) : () -> ()
    %dma_start3A_107 = arith.constant 0 : i32
    %dma_start3A_108 = arith.constant 0 : i32
    %dma_start3A_109 = tpu.memref_slice %arg2[%dma_start3A_107, %dma_start3A_108] : memref<64x16xf32, #tpu.memory_space<hbm>> -> memref<64x16xf32, #tpu.memory_space<hbm>>
    tpu.enqueue_indirect_dma source(%dma_start3A_109 : memref<64x16xf32, #tpu.memory_space<hbm>>) target(%arg6 : memref<2048x16xf32, #tpu.memory_space<vmem>>) offsets(%arg5 : memref<2048xi32, #tpu.memory_space<vmem>>) semaphore(%arg7 : memref<!tpu.dma_semaphore, #tpu.memory_space<semaphore_mem>>)
    %dma_wait3A_110 = arith.constant 0 : i32
    %dma_wait3A_111 = arith.constant 0 : i32
    %dma_wait3A_112 = tpu.memref_slice %arg2[%dma_wait3A_110, %dma_wait3A_111] : memref<64x16xf32, #tpu.memory_space<hbm>> -> memref<64x16xf32, #tpu.memory_space<hbm>>
    tpu.wait_indirect_dma semaphore(%arg7 : memref<!tpu.dma_semaphore, #tpu.memory_space<semaphore_mem>>) src(%dma_wait3A_112 : memref<64x16xf32, #tpu.memory_space<hbm>>) dst(%arg6 : memref<2048x16xf32, #tpu.memory_space<vmem>>)
    "tpu.region"() ({
      %run_scoped3A = tpu.sem_alloc : memref<!tpu.dma_semaphore, #tpu.memory_space<semaphore_mem>>
      %dma_start3A_201 = arith.constant 0 : i32
      %dma_start3A_202 = tpu.memref_slice %arg4[%add3A_106, %dma_start3A_201] : memref<1638400x16xf32, #tpu.memory_space<hbm>> -> memref<2048x16xf32, #tpu.memory_space<hbm>>
      %dma_start3A_203 = arith.constant 0 : i32
      %dma_start3A_204 = tpu.memref_slice %arg4[%add3A_106, %dma_start3A_203] : memref<1638400x16xf32, #tpu.memory_space<hbm>> -> memref<2048x16xf32, #tpu.memory_space<hbm>>
      tpu.enqueue_dma source(%arg6 : memref<2048x16xf32, #tpu.memory_space<vmem>>) target(%dma_start3A_204 : memref<2048x16xf32, #tpu.memory_space<hbm>>) target_semaphore(%run_scoped3A : memref<!tpu.dma_semaphore, #tpu.memory_space<semaphore_mem>>)
      %dma_wait3A_205 = arith.constant 0 : i32
      %dma_wait3A_206 = tpu.memref_slice %arg4[%add3A_106, %dma_wait3A_205] : memref<1638400x16xf32, #tpu.memory_space<hbm>> -> memref<2048x16xf32, #tpu.memory_space<hbm>>
      %dma_wait3A_207 = arith.constant 0 : i32
      %dma_wait3A_208 = tpu.memref_slice %arg4[%add3A_106, %dma_wait3A_207] : memref<1638400x16xf32, #tpu.memory_space<hbm>> -> memref<2048x16xf32, #tpu.memory_space<hbm>>
      tpu.wait_dma2 semaphore(%run_scoped3A : memref<!tpu.dma_semaphore, #tpu.memory_space<semaphore_mem>>) src(%arg6 : memref<2048x16xf32, #tpu.memory_space<vmem>>) dst(%dma_wait3A_208 : memref<2048x16xf32, #tpu.memory_space<hbm>>)
      tpu.yield
    }) : () -> ()
    %add3A_113 = arith.constant 28672 : i32
    %add3A_114 = arith.addi %mul3A_2, %add3A_113 : i32
    "tpu.region"() ({
      %run_scoped3A = tpu.sem_alloc : memref<!tpu.dma_semaphore, #tpu.memory_space<semaphore_mem>>
      %dma_start3A_201 = tpu.memref_slice %arg3[%add3A_114] : memref<1638400xi32, #tpu.memory_space<hbm>> -> memref<2048xi32, #tpu.memory_space<hbm>>
      %dma_start3A_202 = tpu.memref_slice %arg3[%add3A_114] : memref<1638400xi32, #tpu.memory_space<hbm>> -> memref<2048xi32, #tpu.memory_space<hbm>>
      tpu.enqueue_dma source(%dma_start3A_202 : memref<2048xi32, #tpu.memory_space<hbm>>) target(%arg5 : memref<2048xi32, #tpu.memory_space<vmem>>) target_semaphore(%run_scoped3A : memref<!tpu.dma_semaphore, #tpu.memory_space<semaphore_mem>>)
      %dma_wait3A_203 = tpu.memref_slice %arg3[%add3A_114] : memref<1638400xi32, #tpu.memory_space<hbm>> -> memref<2048xi32, #tpu.memory_space<hbm>>
      %dma_wait3A_204 = tpu.memref_slice %arg3[%add3A_114] : memref<1638400xi32, #tpu.memory_space<hbm>> -> memref<2048xi32, #tpu.memory_space<hbm>>
      tpu.wait_dma2 semaphore(%run_scoped3A : memref<!tpu.dma_semaphore, #tpu.memory_space<semaphore_mem>>) src(%dma_wait3A_204 : memref<2048xi32, #tpu.memory_space<hbm>>) dst(%arg5 : memref<2048xi32, #tpu.memory_space<vmem>>)
      tpu.yield
    }) : () -> ()
    %dma_start3A_115 = arith.constant 0 : i32
    %dma_start3A_116 = arith.constant 0 : i32
    %dma_start3A_117 = tpu.memref_slice %arg2[%dma_start3A_115, %dma_start3A_116] : memref<64x16xf32, #tpu.memory_space<hbm>> -> memref<64x16xf32, #tpu.memory_space<hbm>>
    tpu.enqueue_indirect_dma source(%dma_start3A_117 : memref<64x16xf32, #tpu.memory_space<hbm>>) target(%arg6 : memref<2048x16xf32, #tpu.memory_space<vmem>>) offsets(%arg5 : memref<2048xi32, #tpu.memory_space<vmem>>) semaphore(%arg7 : memref<!tpu.dma_semaphore, #tpu.memory_space<semaphore_mem>>)
    %dma_wait3A_118 = arith.constant 0 : i32
    %dma_wait3A_119 = arith.constant 0 : i32
    %dma_wait3A_120 = tpu.memref_slice %arg2[%dma_wait3A_118, %dma_wait3A_119] : memref<64x16xf32, #tpu.memory_space<hbm>> -> memref<64x16xf32, #tpu.memory_space<hbm>>
    tpu.wait_indirect_dma semaphore(%arg7 : memref<!tpu.dma_semaphore, #tpu.memory_space<semaphore_mem>>) src(%dma_wait3A_120 : memref<64x16xf32, #tpu.memory_space<hbm>>) dst(%arg6 : memref<2048x16xf32, #tpu.memory_space<vmem>>)
    "tpu.region"() ({
      %run_scoped3A = tpu.sem_alloc : memref<!tpu.dma_semaphore, #tpu.memory_space<semaphore_mem>>
      %dma_start3A_201 = arith.constant 0 : i32
      %dma_start3A_202 = tpu.memref_slice %arg4[%add3A_114, %dma_start3A_201] : memref<1638400x16xf32, #tpu.memory_space<hbm>> -> memref<2048x16xf32, #tpu.memory_space<hbm>>
      %dma_start3A_203 = arith.constant 0 : i32
      %dma_start3A_204 = tpu.memref_slice %arg4[%add3A_114, %dma_start3A_203] : memref<1638400x16xf32, #tpu.memory_space<hbm>> -> memref<2048x16xf32, #tpu.memory_space<hbm>>
      tpu.enqueue_dma source(%arg6 : memref<2048x16xf32, #tpu.memory_space<vmem>>) target(%dma_start3A_204 : memref<2048x16xf32, #tpu.memory_space<hbm>>) target_semaphore(%run_scoped3A : memref<!tpu.dma_semaphore, #tpu.memory_space<semaphore_mem>>)
      %dma_wait3A_205 = arith.constant 0 : i32
      %dma_wait3A_206 = tpu.memref_slice %arg4[%add3A_114, %dma_wait3A_205] : memref<1638400x16xf32, #tpu.memory_space<hbm>> -> memref<2048x16xf32, #tpu.memory_space<hbm>>
      %dma_wait3A_207 = arith.constant 0 : i32
      %dma_wait3A_208 = tpu.memref_slice %arg4[%add3A_114, %dma_wait3A_207] : memref<1638400x16xf32, #tpu.memory_space<hbm>> -> memref<2048x16xf32, #tpu.memory_space<hbm>>
      tpu.wait_dma2 semaphore(%run_scoped3A : memref<!tpu.dma_semaphore, #tpu.memory_space<semaphore_mem>>) src(%arg6 : memref<2048x16xf32, #tpu.memory_space<vmem>>) dst(%dma_wait3A_208 : memref<2048x16xf32, #tpu.memory_space<hbm>>)
      tpu.yield
    }) : () -> ()
    %add3A_121 = arith.constant 30720 : i32
    %add3A_122 = arith.addi %mul3A_2, %add3A_121 : i32
    "tpu.region"() ({
      %run_scoped3A = tpu.sem_alloc : memref<!tpu.dma_semaphore, #tpu.memory_space<semaphore_mem>>
      %dma_start3A_201 = tpu.memref_slice %arg3[%add3A_122] : memref<1638400xi32, #tpu.memory_space<hbm>> -> memref<2048xi32, #tpu.memory_space<hbm>>
      %dma_start3A_202 = tpu.memref_slice %arg3[%add3A_122] : memref<1638400xi32, #tpu.memory_space<hbm>> -> memref<2048xi32, #tpu.memory_space<hbm>>
      tpu.enqueue_dma source(%dma_start3A_202 : memref<2048xi32, #tpu.memory_space<hbm>>) target(%arg5 : memref<2048xi32, #tpu.memory_space<vmem>>) target_semaphore(%run_scoped3A : memref<!tpu.dma_semaphore, #tpu.memory_space<semaphore_mem>>)
      %dma_wait3A_203 = tpu.memref_slice %arg3[%add3A_122] : memref<1638400xi32, #tpu.memory_space<hbm>> -> memref<2048xi32, #tpu.memory_space<hbm>>
      %dma_wait3A_204 = tpu.memref_slice %arg3[%add3A_122] : memref<1638400xi32, #tpu.memory_space<hbm>> -> memref<2048xi32, #tpu.memory_space<hbm>>
      tpu.wait_dma2 semaphore(%run_scoped3A : memref<!tpu.dma_semaphore, #tpu.memory_space<semaphore_mem>>) src(%dma_wait3A_204 : memref<2048xi32, #tpu.memory_space<hbm>>) dst(%arg5 : memref<2048xi32, #tpu.memory_space<vmem>>)
      tpu.yield
    }) : () -> ()
    %dma_start3A_123 = arith.constant 0 : i32
    %dma_start3A_124 = arith.constant 0 : i32
    %dma_start3A_125 = tpu.memref_slice %arg2[%dma_start3A_123, %dma_start3A_124] : memref<64x16xf32, #tpu.memory_space<hbm>> -> memref<64x16xf32, #tpu.memory_space<hbm>>
    tpu.enqueue_indirect_dma source(%dma_start3A_125 : memref<64x16xf32, #tpu.memory_space<hbm>>) target(%arg6 : memref<2048x16xf32, #tpu.memory_space<vmem>>) offsets(%arg5 : memref<2048xi32, #tpu.memory_space<vmem>>) semaphore(%arg7 : memref<!tpu.dma_semaphore, #tpu.memory_space<semaphore_mem>>)
    %dma_wait3A_126 = arith.constant 0 : i32
    %dma_wait3A_127 = arith.constant 0 : i32
    %dma_wait3A_128 = tpu.memref_slice %arg2[%dma_wait3A_126, %dma_wait3A_127] : memref<64x16xf32, #tpu.memory_space<hbm>> -> memref<64x16xf32, #tpu.memory_space<hbm>>
    tpu.wait_indirect_dma semaphore(%arg7 : memref<!tpu.dma_semaphore, #tpu.memory_space<semaphore_mem>>) src(%dma_wait3A_128 : memref<64x16xf32, #tpu.memory_space<hbm>>) dst(%arg6 : memref<2048x16xf32, #tpu.memory_space<vmem>>)
    "tpu.region"() ({
      %run_scoped3A = tpu.sem_alloc : memref<!tpu.dma_semaphore, #tpu.memory_space<semaphore_mem>>
      %dma_start3A_201 = arith.constant 0 : i32
      %dma_start3A_202 = tpu.memref_slice %arg4[%add3A_122, %dma_start3A_201] : memref<1638400x16xf32, #tpu.memory_space<hbm>> -> memref<2048x16xf32, #tpu.memory_space<hbm>>
      %dma_start3A_203 = arith.constant 0 : i32
      %dma_start3A_204 = tpu.memref_slice %arg4[%add3A_122, %dma_start3A_203] : memref<1638400x16xf32, #tpu.memory_space<hbm>> -> memref<2048x16xf32, #tpu.memory_space<hbm>>
      tpu.enqueue_dma source(%arg6 : memref<2048x16xf32, #tpu.memory_space<vmem>>) target(%dma_start3A_204 : memref<2048x16xf32, #tpu.memory_space<hbm>>) target_semaphore(%run_scoped3A : memref<!tpu.dma_semaphore, #tpu.memory_space<semaphore_mem>>)
      %dma_wait3A_205 = arith.constant 0 : i32
      %dma_wait3A_206 = tpu.memref_slice %arg4[%add3A_122, %dma_wait3A_205] : memref<1638400x16xf32, #tpu.memory_space<hbm>> -> memref<2048x16xf32, #tpu.memory_space<hbm>>
      %dma_wait3A_207 = arith.constant 0 : i32
      %dma_wait3A_208 = tpu.memref_slice %arg4[%add3A_122, %dma_wait3A_207] : memref<1638400x16xf32, #tpu.memory_space<hbm>> -> memref<2048x16xf32, #tpu.memory_space<hbm>>
      tpu.wait_dma2 semaphore(%run_scoped3A : memref<!tpu.dma_semaphore, #tpu.memory_space<semaphore_mem>>) src(%arg6 : memref<2048x16xf32, #tpu.memory_space<vmem>>) dst(%dma_wait3A_208 : memref<2048x16xf32, #tpu.memory_space<hbm>>)
      tpu.yield
    }) : () -> ()
    %add3A_129 = arith.constant 32768 : i32
    %add3A_130 = arith.addi %mul3A_2, %add3A_129 : i32
    "tpu.region"() ({
      %run_scoped3A = tpu.sem_alloc : memref<!tpu.dma_semaphore, #tpu.memory_space<semaphore_mem>>
      %dma_start3A_201 = tpu.memref_slice %arg3[%add3A_130] : memref<1638400xi32, #tpu.memory_space<hbm>> -> memref<2048xi32, #tpu.memory_space<hbm>>
      %dma_start3A_202 = tpu.memref_slice %arg3[%add3A_130] : memref<1638400xi32, #tpu.memory_space<hbm>> -> memref<2048xi32, #tpu.memory_space<hbm>>
      tpu.enqueue_dma source(%dma_start3A_202 : memref<2048xi32, #tpu.memory_space<hbm>>) target(%arg5 : memref<2048xi32, #tpu.memory_space<vmem>>) target_semaphore(%run_scoped3A : memref<!tpu.dma_semaphore, #tpu.memory_space<semaphore_mem>>)
      %dma_wait3A_203 = tpu.memref_slice %arg3[%add3A_130] : memref<1638400xi32, #tpu.memory_space<hbm>> -> memref<2048xi32, #tpu.memory_space<hbm>>
      %dma_wait3A_204 = tpu.memref_slice %arg3[%add3A_130] : memref<1638400xi32, #tpu.memory_space<hbm>> -> memref<2048xi32, #tpu.memory_space<hbm>>
      tpu.wait_dma2 semaphore(%run_scoped3A : memref<!tpu.dma_semaphore, #tpu.memory_space<semaphore_mem>>) src(%dma_wait3A_204 : memref<2048xi32, #tpu.memory_space<hbm>>) dst(%arg5 : memref<2048xi32, #tpu.memory_space<vmem>>)
      tpu.yield
    }) : () -> ()
    %dma_start3A_131 = arith.constant 0 : i32
    %dma_start3A_132 = arith.constant 0 : i32
    %dma_start3A_133 = tpu.memref_slice %arg2[%dma_start3A_131, %dma_start3A_132] : memref<64x16xf32, #tpu.memory_space<hbm>> -> memref<64x16xf32, #tpu.memory_space<hbm>>
    tpu.enqueue_indirect_dma source(%dma_start3A_133 : memref<64x16xf32, #tpu.memory_space<hbm>>) target(%arg6 : memref<2048x16xf32, #tpu.memory_space<vmem>>) offsets(%arg5 : memref<2048xi32, #tpu.memory_space<vmem>>) semaphore(%arg7 : memref<!tpu.dma_semaphore, #tpu.memory_space<semaphore_mem>>)
    %dma_wait3A_134 = arith.constant 0 : i32
    %dma_wait3A_135 = arith.constant 0 : i32
    %dma_wait3A_136 = tpu.memref_slice %arg2[%dma_wait3A_134, %dma_wait3A_135] : memref<64x16xf32, #tpu.memory_space<hbm>> -> memref<64x16xf32, #tpu.memory_space<hbm>>
    tpu.wait_indirect_dma semaphore(%arg7 : memref<!tpu.dma_semaphore, #tpu.memory_space<semaphore_mem>>) src(%dma_wait3A_136 : memref<64x16xf32, #tpu.memory_space<hbm>>) dst(%arg6 : memref<2048x16xf32, #tpu.memory_space<vmem>>)
    "tpu.region"() ({
      %run_scoped3A = tpu.sem_alloc : memref<!tpu.dma_semaphore, #tpu.memory_space<semaphore_mem>>
      %dma_start3A_201 = arith.constant 0 : i32
      %dma_start3A_202 = tpu.memref_slice %arg4[%add3A_130, %dma_start3A_201] : memref<1638400x16xf32, #tpu.memory_space<hbm>> -> memref<2048x16xf32, #tpu.memory_space<hbm>>
      %dma_start3A_203 = arith.constant 0 : i32
      %dma_start3A_204 = tpu.memref_slice %arg4[%add3A_130, %dma_start3A_203] : memref<1638400x16xf32, #tpu.memory_space<hbm>> -> memref<2048x16xf32, #tpu.memory_space<hbm>>
      tpu.enqueue_dma source(%arg6 : memref<2048x16xf32, #tpu.memory_space<vmem>>) target(%dma_start3A_204 : memref<2048x16xf32, #tpu.memory_space<hbm>>) target_semaphore(%run_scoped3A : memref<!tpu.dma_semaphore, #tpu.memory_space<semaphore_mem>>)
      %dma_wait3A_205 = arith.constant 0 : i32
      %dma_wait3A_206 = tpu.memref_slice %arg4[%add3A_130, %dma_wait3A_205] : memref<1638400x16xf32, #tpu.memory_space<hbm>> -> memref<2048x16xf32, #tpu.memory_space<hbm>>
      %dma_wait3A_207 = arith.constant 0 : i32
      %dma_wait3A_208 = tpu.memref_slice %arg4[%add3A_130, %dma_wait3A_207] : memref<1638400x16xf32, #tpu.memory_space<hbm>> -> memref<2048x16xf32, #tpu.memory_space<hbm>>
      tpu.wait_dma2 semaphore(%run_scoped3A : memref<!tpu.dma_semaphore, #tpu.memory_space<semaphore_mem>>) src(%arg6 : memref<2048x16xf32, #tpu.memory_space<vmem>>) dst(%dma_wait3A_208 : memref<2048x16xf32, #tpu.memory_space<hbm>>)
      tpu.yield
    }) : () -> ()
    %add3A_137 = arith.constant 34816 : i32
    %add3A_138 = arith.addi %mul3A_2, %add3A_137 : i32
    "tpu.region"() ({
      %run_scoped3A = tpu.sem_alloc : memref<!tpu.dma_semaphore, #tpu.memory_space<semaphore_mem>>
      %dma_start3A_201 = tpu.memref_slice %arg3[%add3A_138] : memref<1638400xi32, #tpu.memory_space<hbm>> -> memref<2048xi32, #tpu.memory_space<hbm>>
      %dma_start3A_202 = tpu.memref_slice %arg3[%add3A_138] : memref<1638400xi32, #tpu.memory_space<hbm>> -> memref<2048xi32, #tpu.memory_space<hbm>>
      tpu.enqueue_dma source(%dma_start3A_202 : memref<2048xi32, #tpu.memory_space<hbm>>) target(%arg5 : memref<2048xi32, #tpu.memory_space<vmem>>) target_semaphore(%run_scoped3A : memref<!tpu.dma_semaphore, #tpu.memory_space<semaphore_mem>>)
      %dma_wait3A_203 = tpu.memref_slice %arg3[%add3A_138] : memref<1638400xi32, #tpu.memory_space<hbm>> -> memref<2048xi32, #tpu.memory_space<hbm>>
      %dma_wait3A_204 = tpu.memref_slice %arg3[%add3A_138] : memref<1638400xi32, #tpu.memory_space<hbm>> -> memref<2048xi32, #tpu.memory_space<hbm>>
      tpu.wait_dma2 semaphore(%run_scoped3A : memref<!tpu.dma_semaphore, #tpu.memory_space<semaphore_mem>>) src(%dma_wait3A_204 : memref<2048xi32, #tpu.memory_space<hbm>>) dst(%arg5 : memref<2048xi32, #tpu.memory_space<vmem>>)
      tpu.yield
    }) : () -> ()
    %dma_start3A_139 = arith.constant 0 : i32
    %dma_start3A_140 = arith.constant 0 : i32
    %dma_start3A_141 = tpu.memref_slice %arg2[%dma_start3A_139, %dma_start3A_140] : memref<64x16xf32, #tpu.memory_space<hbm>> -> memref<64x16xf32, #tpu.memory_space<hbm>>
    tpu.enqueue_indirect_dma source(%dma_start3A_141 : memref<64x16xf32, #tpu.memory_space<hbm>>) target(%arg6 : memref<2048x16xf32, #tpu.memory_space<vmem>>) offsets(%arg5 : memref<2048xi32, #tpu.memory_space<vmem>>) semaphore(%arg7 : memref<!tpu.dma_semaphore, #tpu.memory_space<semaphore_mem>>)
    %dma_wait3A_142 = arith.constant 0 : i32
    %dma_wait3A_143 = arith.constant 0 : i32
    %dma_wait3A_144 = tpu.memref_slice %arg2[%dma_wait3A_142, %dma_wait3A_143] : memref<64x16xf32, #tpu.memory_space<hbm>> -> memref<64x16xf32, #tpu.memory_space<hbm>>
    tpu.wait_indirect_dma semaphore(%arg7 : memref<!tpu.dma_semaphore, #tpu.memory_space<semaphore_mem>>) src(%dma_wait3A_144 : memref<64x16xf32, #tpu.memory_space<hbm>>) dst(%arg6 : memref<2048x16xf32, #tpu.memory_space<vmem>>)
    "tpu.region"() ({
      %run_scoped3A = tpu.sem_alloc : memref<!tpu.dma_semaphore, #tpu.memory_space<semaphore_mem>>
      %dma_start3A_201 = arith.constant 0 : i32
      %dma_start3A_202 = tpu.memref_slice %arg4[%add3A_138, %dma_start3A_201] : memref<1638400x16xf32, #tpu.memory_space<hbm>> -> memref<2048x16xf32, #tpu.memory_space<hbm>>
      %dma_start3A_203 = arith.constant 0 : i32
      %dma_start3A_204 = tpu.memref_slice %arg4[%add3A_138, %dma_start3A_203] : memref<1638400x16xf32, #tpu.memory_space<hbm>> -> memref<2048x16xf32, #tpu.memory_space<hbm>>
      tpu.enqueue_dma source(%arg6 : memref<2048x16xf32, #tpu.memory_space<vmem>>) target(%dma_start3A_204 : memref<2048x16xf32, #tpu.memory_space<hbm>>) target_semaphore(%run_scoped3A : memref<!tpu.dma_semaphore, #tpu.memory_space<semaphore_mem>>)
      %dma_wait3A_205 = arith.constant 0 : i32
      %dma_wait3A_206 = tpu.memref_slice %arg4[%add3A_138, %dma_wait3A_205] : memref<1638400x16xf32, #tpu.memory_space<hbm>> -> memref<2048x16xf32, #tpu.memory_space<hbm>>
      %dma_wait3A_207 = arith.constant 0 : i32
      %dma_wait3A_208 = tpu.memref_slice %arg4[%add3A_138, %dma_wait3A_207] : memref<1638400x16xf32, #tpu.memory_space<hbm>> -> memref<2048x16xf32, #tpu.memory_space<hbm>>
      tpu.wait_dma2 semaphore(%run_scoped3A : memref<!tpu.dma_semaphore, #tpu.memory_space<semaphore_mem>>) src(%arg6 : memref<2048x16xf32, #tpu.memory_space<vmem>>) dst(%dma_wait3A_208 : memref<2048x16xf32, #tpu.memory_space<hbm>>)
      tpu.yield
    }) : () -> ()
    %add3A_145 = arith.constant 36864 : i32
    %add3A_146 = arith.addi %mul3A_2, %add3A_145 : i32
    "tpu.region"() ({
      %run_scoped3A = tpu.sem_alloc : memref<!tpu.dma_semaphore, #tpu.memory_space<semaphore_mem>>
      %dma_start3A_201 = tpu.memref_slice %arg3[%add3A_146] : memref<1638400xi32, #tpu.memory_space<hbm>> -> memref<2048xi32, #tpu.memory_space<hbm>>
      %dma_start3A_202 = tpu.memref_slice %arg3[%add3A_146] : memref<1638400xi32, #tpu.memory_space<hbm>> -> memref<2048xi32, #tpu.memory_space<hbm>>
      tpu.enqueue_dma source(%dma_start3A_202 : memref<2048xi32, #tpu.memory_space<hbm>>) target(%arg5 : memref<2048xi32, #tpu.memory_space<vmem>>) target_semaphore(%run_scoped3A : memref<!tpu.dma_semaphore, #tpu.memory_space<semaphore_mem>>)
      %dma_wait3A_203 = tpu.memref_slice %arg3[%add3A_146] : memref<1638400xi32, #tpu.memory_space<hbm>> -> memref<2048xi32, #tpu.memory_space<hbm>>
      %dma_wait3A_204 = tpu.memref_slice %arg3[%add3A_146] : memref<1638400xi32, #tpu.memory_space<hbm>> -> memref<2048xi32, #tpu.memory_space<hbm>>
      tpu.wait_dma2 semaphore(%run_scoped3A : memref<!tpu.dma_semaphore, #tpu.memory_space<semaphore_mem>>) src(%dma_wait3A_204 : memref<2048xi32, #tpu.memory_space<hbm>>) dst(%arg5 : memref<2048xi32, #tpu.memory_space<vmem>>)
      tpu.yield
    }) : () -> ()
    %dma_start3A_147 = arith.constant 0 : i32
    %dma_start3A_148 = arith.constant 0 : i32
    %dma_start3A_149 = tpu.memref_slice %arg2[%dma_start3A_147, %dma_start3A_148] : memref<64x16xf32, #tpu.memory_space<hbm>> -> memref<64x16xf32, #tpu.memory_space<hbm>>
    tpu.enqueue_indirect_dma source(%dma_start3A_149 : memref<64x16xf32, #tpu.memory_space<hbm>>) target(%arg6 : memref<2048x16xf32, #tpu.memory_space<vmem>>) offsets(%arg5 : memref<2048xi32, #tpu.memory_space<vmem>>) semaphore(%arg7 : memref<!tpu.dma_semaphore, #tpu.memory_space<semaphore_mem>>)
    %dma_wait3A_150 = arith.constant 0 : i32
    %dma_wait3A_151 = arith.constant 0 : i32
    %dma_wait3A_152 = tpu.memref_slice %arg2[%dma_wait3A_150, %dma_wait3A_151] : memref<64x16xf32, #tpu.memory_space<hbm>> -> memref<64x16xf32, #tpu.memory_space<hbm>>
    tpu.wait_indirect_dma semaphore(%arg7 : memref<!tpu.dma_semaphore, #tpu.memory_space<semaphore_mem>>) src(%dma_wait3A_152 : memref<64x16xf32, #tpu.memory_space<hbm>>) dst(%arg6 : memref<2048x16xf32, #tpu.memory_space<vmem>>)
    "tpu.region"() ({
      %run_scoped3A = tpu.sem_alloc : memref<!tpu.dma_semaphore, #tpu.memory_space<semaphore_mem>>
      %dma_start3A_201 = arith.constant 0 : i32
      %dma_start3A_202 = tpu.memref_slice %arg4[%add3A_146, %dma_start3A_201] : memref<1638400x16xf32, #tpu.memory_space<hbm>> -> memref<2048x16xf32, #tpu.memory_space<hbm>>
      %dma_start3A_203 = arith.constant 0 : i32
      %dma_start3A_204 = tpu.memref_slice %arg4[%add3A_146, %dma_start3A_203] : memref<1638400x16xf32, #tpu.memory_space<hbm>> -> memref<2048x16xf32, #tpu.memory_space<hbm>>
      tpu.enqueue_dma source(%arg6 : memref<2048x16xf32, #tpu.memory_space<vmem>>) target(%dma_start3A_204 : memref<2048x16xf32, #tpu.memory_space<hbm>>) target_semaphore(%run_scoped3A : memref<!tpu.dma_semaphore, #tpu.memory_space<semaphore_mem>>)
      %dma_wait3A_205 = arith.constant 0 : i32
      %dma_wait3A_206 = tpu.memref_slice %arg4[%add3A_146, %dma_wait3A_205] : memref<1638400x16xf32, #tpu.memory_space<hbm>> -> memref<2048x16xf32, #tpu.memory_space<hbm>>
      %dma_wait3A_207 = arith.constant 0 : i32
      %dma_wait3A_208 = tpu.memref_slice %arg4[%add3A_146, %dma_wait3A_207] : memref<1638400x16xf32, #tpu.memory_space<hbm>> -> memref<2048x16xf32, #tpu.memory_space<hbm>>
      tpu.wait_dma2 semaphore(%run_scoped3A : memref<!tpu.dma_semaphore, #tpu.memory_space<semaphore_mem>>) src(%arg6 : memref<2048x16xf32, #tpu.memory_space<vmem>>) dst(%dma_wait3A_208 : memref<2048x16xf32, #tpu.memory_space<hbm>>)
      tpu.yield
    }) : () -> ()
    %add3A_153 = arith.constant 38912 : i32
    %add3A_154 = arith.addi %mul3A_2, %add3A_153 : i32
    "tpu.region"() ({
      %run_scoped3A = tpu.sem_alloc : memref<!tpu.dma_semaphore, #tpu.memory_space<semaphore_mem>>
      %dma_start3A_201 = tpu.memref_slice %arg3[%add3A_154] : memref<1638400xi32, #tpu.memory_space<hbm>> -> memref<2048xi32, #tpu.memory_space<hbm>>
      %dma_start3A_202 = tpu.memref_slice %arg3[%add3A_154] : memref<1638400xi32, #tpu.memory_space<hbm>> -> memref<2048xi32, #tpu.memory_space<hbm>>
      tpu.enqueue_dma source(%dma_start3A_202 : memref<2048xi32, #tpu.memory_space<hbm>>) target(%arg5 : memref<2048xi32, #tpu.memory_space<vmem>>) target_semaphore(%run_scoped3A : memref<!tpu.dma_semaphore, #tpu.memory_space<semaphore_mem>>)
      %dma_wait3A_203 = tpu.memref_slice %arg3[%add3A_154] : memref<1638400xi32, #tpu.memory_space<hbm>> -> memref<2048xi32, #tpu.memory_space<hbm>>
      %dma_wait3A_204 = tpu.memref_slice %arg3[%add3A_154] : memref<1638400xi32, #tpu.memory_space<hbm>> -> memref<2048xi32, #tpu.memory_space<hbm>>
      tpu.wait_dma2 semaphore(%run_scoped3A : memref<!tpu.dma_semaphore, #tpu.memory_space<semaphore_mem>>) src(%dma_wait3A_204 : memref<2048xi32, #tpu.memory_space<hbm>>) dst(%arg5 : memref<2048xi32, #tpu.memory_space<vmem>>)
      tpu.yield
    }) : () -> ()
    %dma_start3A_155 = arith.constant 0 : i32
    %dma_start3A_156 = arith.constant 0 : i32
    %dma_start3A_157 = tpu.memref_slice %arg2[%dma_start3A_155, %dma_start3A_156] : memref<64x16xf32, #tpu.memory_space<hbm>> -> memref<64x16xf32, #tpu.memory_space<hbm>>
    tpu.enqueue_indirect_dma source(%dma_start3A_157 : memref<64x16xf32, #tpu.memory_space<hbm>>) target(%arg6 : memref<2048x16xf32, #tpu.memory_space<vmem>>) offsets(%arg5 : memref<2048xi32, #tpu.memory_space<vmem>>) semaphore(%arg7 : memref<!tpu.dma_semaphore, #tpu.memory_space<semaphore_mem>>)
    %dma_wait3A_158 = arith.constant 0 : i32
    %dma_wait3A_159 = arith.constant 0 : i32
    %dma_wait3A_160 = tpu.memref_slice %arg2[%dma_wait3A_158, %dma_wait3A_159] : memref<64x16xf32, #tpu.memory_space<hbm>> -> memref<64x16xf32, #tpu.memory_space<hbm>>
    tpu.wait_indirect_dma semaphore(%arg7 : memref<!tpu.dma_semaphore, #tpu.memory_space<semaphore_mem>>) src(%dma_wait3A_160 : memref<64x16xf32, #tpu.memory_space<hbm>>) dst(%arg6 : memref<2048x16xf32, #tpu.memory_space<vmem>>)
    "tpu.region"() ({
      %run_scoped3A = tpu.sem_alloc : memref<!tpu.dma_semaphore, #tpu.memory_space<semaphore_mem>>
      %dma_start3A_201 = arith.constant 0 : i32
      %dma_start3A_202 = tpu.memref_slice %arg4[%add3A_154, %dma_start3A_201] : memref<1638400x16xf32, #tpu.memory_space<hbm>> -> memref<2048x16xf32, #tpu.memory_space<hbm>>
      %dma_start3A_203 = arith.constant 0 : i32
      %dma_start3A_204 = tpu.memref_slice %arg4[%add3A_154, %dma_start3A_203] : memref<1638400x16xf32, #tpu.memory_space<hbm>> -> memref<2048x16xf32, #tpu.memory_space<hbm>>
      tpu.enqueue_dma source(%arg6 : memref<2048x16xf32, #tpu.memory_space<vmem>>) target(%dma_start3A_204 : memref<2048x16xf32, #tpu.memory_space<hbm>>) target_semaphore(%run_scoped3A : memref<!tpu.dma_semaphore, #tpu.memory_space<semaphore_mem>>)
      %dma_wait3A_205 = arith.constant 0 : i32
      %dma_wait3A_206 = tpu.memref_slice %arg4[%add3A_154, %dma_wait3A_205] : memref<1638400x16xf32, #tpu.memory_space<hbm>> -> memref<2048x16xf32, #tpu.memory_space<hbm>>
      %dma_wait3A_207 = arith.constant 0 : i32
      %dma_wait3A_208 = tpu.memref_slice %arg4[%add3A_154, %dma_wait3A_207] : memref<1638400x16xf32, #tpu.memory_space<hbm>> -> memref<2048x16xf32, #tpu.memory_space<hbm>>
      tpu.wait_dma2 semaphore(%run_scoped3A : memref<!tpu.dma_semaphore, #tpu.memory_space<semaphore_mem>>) src(%arg6 : memref<2048x16xf32, #tpu.memory_space<vmem>>) dst(%dma_wait3A_208 : memref<2048x16xf32, #tpu.memory_space<hbm>>)
      tpu.yield
    }) : () -> ()
    %add3A_161 = arith.constant 40960 : i32
    %add3A_162 = arith.addi %mul3A_2, %add3A_161 : i32
    "tpu.region"() ({
      %run_scoped3A = tpu.sem_alloc : memref<!tpu.dma_semaphore, #tpu.memory_space<semaphore_mem>>
      %dma_start3A_201 = tpu.memref_slice %arg3[%add3A_162] : memref<1638400xi32, #tpu.memory_space<hbm>> -> memref<2048xi32, #tpu.memory_space<hbm>>
      %dma_start3A_202 = tpu.memref_slice %arg3[%add3A_162] : memref<1638400xi32, #tpu.memory_space<hbm>> -> memref<2048xi32, #tpu.memory_space<hbm>>
      tpu.enqueue_dma source(%dma_start3A_202 : memref<2048xi32, #tpu.memory_space<hbm>>) target(%arg5 : memref<2048xi32, #tpu.memory_space<vmem>>) target_semaphore(%run_scoped3A : memref<!tpu.dma_semaphore, #tpu.memory_space<semaphore_mem>>)
      %dma_wait3A_203 = tpu.memref_slice %arg3[%add3A_162] : memref<1638400xi32, #tpu.memory_space<hbm>> -> memref<2048xi32, #tpu.memory_space<hbm>>
      %dma_wait3A_204 = tpu.memref_slice %arg3[%add3A_162] : memref<1638400xi32, #tpu.memory_space<hbm>> -> memref<2048xi32, #tpu.memory_space<hbm>>
      tpu.wait_dma2 semaphore(%run_scoped3A : memref<!tpu.dma_semaphore, #tpu.memory_space<semaphore_mem>>) src(%dma_wait3A_204 : memref<2048xi32, #tpu.memory_space<hbm>>) dst(%arg5 : memref<2048xi32, #tpu.memory_space<vmem>>)
      tpu.yield
    }) : () -> ()
    %dma_start3A_163 = arith.constant 0 : i32
    %dma_start3A_164 = arith.constant 0 : i32
    %dma_start3A_165 = tpu.memref_slice %arg2[%dma_start3A_163, %dma_start3A_164] : memref<64x16xf32, #tpu.memory_space<hbm>> -> memref<64x16xf32, #tpu.memory_space<hbm>>
    tpu.enqueue_indirect_dma source(%dma_start3A_165 : memref<64x16xf32, #tpu.memory_space<hbm>>) target(%arg6 : memref<2048x16xf32, #tpu.memory_space<vmem>>) offsets(%arg5 : memref<2048xi32, #tpu.memory_space<vmem>>) semaphore(%arg7 : memref<!tpu.dma_semaphore, #tpu.memory_space<semaphore_mem>>)
    %dma_wait3A_166 = arith.constant 0 : i32
    %dma_wait3A_167 = arith.constant 0 : i32
    %dma_wait3A_168 = tpu.memref_slice %arg2[%dma_wait3A_166, %dma_wait3A_167] : memref<64x16xf32, #tpu.memory_space<hbm>> -> memref<64x16xf32, #tpu.memory_space<hbm>>
    tpu.wait_indirect_dma semaphore(%arg7 : memref<!tpu.dma_semaphore, #tpu.memory_space<semaphore_mem>>) src(%dma_wait3A_168 : memref<64x16xf32, #tpu.memory_space<hbm>>) dst(%arg6 : memref<2048x16xf32, #tpu.memory_space<vmem>>)
    "tpu.region"() ({
      %run_scoped3A = tpu.sem_alloc : memref<!tpu.dma_semaphore, #tpu.memory_space<semaphore_mem>>
      %dma_start3A_201 = arith.constant 0 : i32
      %dma_start3A_202 = tpu.memref_slice %arg4[%add3A_162, %dma_start3A_201] : memref<1638400x16xf32, #tpu.memory_space<hbm>> -> memref<2048x16xf32, #tpu.memory_space<hbm>>
      %dma_start3A_203 = arith.constant 0 : i32
      %dma_start3A_204 = tpu.memref_slice %arg4[%add3A_162, %dma_start3A_203] : memref<1638400x16xf32, #tpu.memory_space<hbm>> -> memref<2048x16xf32, #tpu.memory_space<hbm>>
      tpu.enqueue_dma source(%arg6 : memref<2048x16xf32, #tpu.memory_space<vmem>>) target(%dma_start3A_204 : memref<2048x16xf32, #tpu.memory_space<hbm>>) target_semaphore(%run_scoped3A : memref<!tpu.dma_semaphore, #tpu.memory_space<semaphore_mem>>)
      %dma_wait3A_205 = arith.constant 0 : i32
      %dma_wait3A_206 = tpu.memref_slice %arg4[%add3A_162, %dma_wait3A_205] : memref<1638400x16xf32, #tpu.memory_space<hbm>> -> memref<2048x16xf32, #tpu.memory_space<hbm>>
      %dma_wait3A_207 = arith.constant 0 : i32
      %dma_wait3A_208 = tpu.memref_slice %arg4[%add3A_162, %dma_wait3A_207] : memref<1638400x16xf32, #tpu.memory_space<hbm>> -> memref<2048x16xf32, #tpu.memory_space<hbm>>
      tpu.wait_dma2 semaphore(%run_scoped3A : memref<!tpu.dma_semaphore, #tpu.memory_space<semaphore_mem>>) src(%arg6 : memref<2048x16xf32, #tpu.memory_space<vmem>>) dst(%dma_wait3A_208 : memref<2048x16xf32, #tpu.memory_space<hbm>>)
      tpu.yield
    }) : () -> ()
    %add3A_169 = arith.constant 43008 : i32
    %add3A_170 = arith.addi %mul3A_2, %add3A_169 : i32
    "tpu.region"() ({
      %run_scoped3A = tpu.sem_alloc : memref<!tpu.dma_semaphore, #tpu.memory_space<semaphore_mem>>
      %dma_start3A_201 = tpu.memref_slice %arg3[%add3A_170] : memref<1638400xi32, #tpu.memory_space<hbm>> -> memref<2048xi32, #tpu.memory_space<hbm>>
      %dma_start3A_202 = tpu.memref_slice %arg3[%add3A_170] : memref<1638400xi32, #tpu.memory_space<hbm>> -> memref<2048xi32, #tpu.memory_space<hbm>>
      tpu.enqueue_dma source(%dma_start3A_202 : memref<2048xi32, #tpu.memory_space<hbm>>) target(%arg5 : memref<2048xi32, #tpu.memory_space<vmem>>) target_semaphore(%run_scoped3A : memref<!tpu.dma_semaphore, #tpu.memory_space<semaphore_mem>>)
      %dma_wait3A_203 = tpu.memref_slice %arg3[%add3A_170] : memref<1638400xi32, #tpu.memory_space<hbm>> -> memref<2048xi32, #tpu.memory_space<hbm>>
      %dma_wait3A_204 = tpu.memref_slice %arg3[%add3A_170] : memref<1638400xi32, #tpu.memory_space<hbm>> -> memref<2048xi32, #tpu.memory_space<hbm>>
      tpu.wait_dma2 semaphore(%run_scoped3A : memref<!tpu.dma_semaphore, #tpu.memory_space<semaphore_mem>>) src(%dma_wait3A_204 : memref<2048xi32, #tpu.memory_space<hbm>>) dst(%arg5 : memref<2048xi32, #tpu.memory_space<vmem>>)
      tpu.yield
    }) : () -> ()
    %dma_start3A_171 = arith.constant 0 : i32
    %dma_start3A_172 = arith.constant 0 : i32
    %dma_start3A_173 = tpu.memref_slice %arg2[%dma_start3A_171, %dma_start3A_172] : memref<64x16xf32, #tpu.memory_space<hbm>> -> memref<64x16xf32, #tpu.memory_space<hbm>>
    tpu.enqueue_indirect_dma source(%dma_start3A_173 : memref<64x16xf32, #tpu.memory_space<hbm>>) target(%arg6 : memref<2048x16xf32, #tpu.memory_space<vmem>>) offsets(%arg5 : memref<2048xi32, #tpu.memory_space<vmem>>) semaphore(%arg7 : memref<!tpu.dma_semaphore, #tpu.memory_space<semaphore_mem>>)
    %dma_wait3A_174 = arith.constant 0 : i32
    %dma_wait3A_175 = arith.constant 0 : i32
    %dma_wait3A_176 = tpu.memref_slice %arg2[%dma_wait3A_174, %dma_wait3A_175] : memref<64x16xf32, #tpu.memory_space<hbm>> -> memref<64x16xf32, #tpu.memory_space<hbm>>
    tpu.wait_indirect_dma semaphore(%arg7 : memref<!tpu.dma_semaphore, #tpu.memory_space<semaphore_mem>>) src(%dma_wait3A_176 : memref<64x16xf32, #tpu.memory_space<hbm>>) dst(%arg6 : memref<2048x16xf32, #tpu.memory_space<vmem>>)
    "tpu.region"() ({
      %run_scoped3A = tpu.sem_alloc : memref<!tpu.dma_semaphore, #tpu.memory_space<semaphore_mem>>
      %dma_start3A_201 = arith.constant 0 : i32
      %dma_start3A_202 = tpu.memref_slice %arg4[%add3A_170, %dma_start3A_201] : memref<1638400x16xf32, #tpu.memory_space<hbm>> -> memref<2048x16xf32, #tpu.memory_space<hbm>>
      %dma_start3A_203 = arith.constant 0 : i32
      %dma_start3A_204 = tpu.memref_slice %arg4[%add3A_170, %dma_start3A_203] : memref<1638400x16xf32, #tpu.memory_space<hbm>> -> memref<2048x16xf32, #tpu.memory_space<hbm>>
      tpu.enqueue_dma source(%arg6 : memref<2048x16xf32, #tpu.memory_space<vmem>>) target(%dma_start3A_204 : memref<2048x16xf32, #tpu.memory_space<hbm>>) target_semaphore(%run_scoped3A : memref<!tpu.dma_semaphore, #tpu.memory_space<semaphore_mem>>)
      %dma_wait3A_205 = arith.constant 0 : i32
      %dma_wait3A_206 = tpu.memref_slice %arg4[%add3A_170, %dma_wait3A_205] : memref<1638400x16xf32, #tpu.memory_space<hbm>> -> memref<2048x16xf32, #tpu.memory_space<hbm>>
      %dma_wait3A_207 = arith.constant 0 : i32
      %dma_wait3A_208 = tpu.memref_slice %arg4[%add3A_170, %dma_wait3A_207] : memref<1638400x16xf32, #tpu.memory_space<hbm>> -> memref<2048x16xf32, #tpu.memory_space<hbm>>
      tpu.wait_dma2 semaphore(%run_scoped3A : memref<!tpu.dma_semaphore, #tpu.memory_space<semaphore_mem>>) src(%arg6 : memref<2048x16xf32, #tpu.memory_space<vmem>>) dst(%dma_wait3A_208 : memref<2048x16xf32, #tpu.memory_space<hbm>>)
      tpu.yield
    }) : () -> ()
    %add3A_177 = arith.constant 45056 : i32
    %add3A_178 = arith.addi %mul3A_2, %add3A_177 : i32
    "tpu.region"() ({
      %run_scoped3A = tpu.sem_alloc : memref<!tpu.dma_semaphore, #tpu.memory_space<semaphore_mem>>
      %dma_start3A_201 = tpu.memref_slice %arg3[%add3A_178] : memref<1638400xi32, #tpu.memory_space<hbm>> -> memref<2048xi32, #tpu.memory_space<hbm>>
      %dma_start3A_202 = tpu.memref_slice %arg3[%add3A_178] : memref<1638400xi32, #tpu.memory_space<hbm>> -> memref<2048xi32, #tpu.memory_space<hbm>>
      tpu.enqueue_dma source(%dma_start3A_202 : memref<2048xi32, #tpu.memory_space<hbm>>) target(%arg5 : memref<2048xi32, #tpu.memory_space<vmem>>) target_semaphore(%run_scoped3A : memref<!tpu.dma_semaphore, #tpu.memory_space<semaphore_mem>>)
      %dma_wait3A_203 = tpu.memref_slice %arg3[%add3A_178] : memref<1638400xi32, #tpu.memory_space<hbm>> -> memref<2048xi32, #tpu.memory_space<hbm>>
      %dma_wait3A_204 = tpu.memref_slice %arg3[%add3A_178] : memref<1638400xi32, #tpu.memory_space<hbm>> -> memref<2048xi32, #tpu.memory_space<hbm>>
      tpu.wait_dma2 semaphore(%run_scoped3A : memref<!tpu.dma_semaphore, #tpu.memory_space<semaphore_mem>>) src(%dma_wait3A_204 : memref<2048xi32, #tpu.memory_space<hbm>>) dst(%arg5 : memref<2048xi32, #tpu.memory_space<vmem>>)
      tpu.yield
    }) : () -> ()
    %dma_start3A_179 = arith.constant 0 : i32
    %dma_start3A_180 = arith.constant 0 : i32
    %dma_start3A_181 = tpu.memref_slice %arg2[%dma_start3A_179, %dma_start3A_180] : memref<64x16xf32, #tpu.memory_space<hbm>> -> memref<64x16xf32, #tpu.memory_space<hbm>>
    tpu.enqueue_indirect_dma source(%dma_start3A_181 : memref<64x16xf32, #tpu.memory_space<hbm>>) target(%arg6 : memref<2048x16xf32, #tpu.memory_space<vmem>>) offsets(%arg5 : memref<2048xi32, #tpu.memory_space<vmem>>) semaphore(%arg7 : memref<!tpu.dma_semaphore, #tpu.memory_space<semaphore_mem>>)
    %dma_wait3A_182 = arith.constant 0 : i32
    %dma_wait3A_183 = arith.constant 0 : i32
    %dma_wait3A_184 = tpu.memref_slice %arg2[%dma_wait3A_182, %dma_wait3A_183] : memref<64x16xf32, #tpu.memory_space<hbm>> -> memref<64x16xf32, #tpu.memory_space<hbm>>
    tpu.wait_indirect_dma semaphore(%arg7 : memref<!tpu.dma_semaphore, #tpu.memory_space<semaphore_mem>>) src(%dma_wait3A_184 : memref<64x16xf32, #tpu.memory_space<hbm>>) dst(%arg6 : memref<2048x16xf32, #tpu.memory_space<vmem>>)
    "tpu.region"() ({
      %run_scoped3A = tpu.sem_alloc : memref<!tpu.dma_semaphore, #tpu.memory_space<semaphore_mem>>
      %dma_start3A_201 = arith.constant 0 : i32
      %dma_start3A_202 = tpu.memref_slice %arg4[%add3A_178, %dma_start3A_201] : memref<1638400x16xf32, #tpu.memory_space<hbm>> -> memref<2048x16xf32, #tpu.memory_space<hbm>>
      %dma_start3A_203 = arith.constant 0 : i32
      %dma_start3A_204 = tpu.memref_slice %arg4[%add3A_178, %dma_start3A_203] : memref<1638400x16xf32, #tpu.memory_space<hbm>> -> memref<2048x16xf32, #tpu.memory_space<hbm>>
      tpu.enqueue_dma source(%arg6 : memref<2048x16xf32, #tpu.memory_space<vmem>>) target(%dma_start3A_204 : memref<2048x16xf32, #tpu.memory_space<hbm>>) target_semaphore(%run_scoped3A : memref<!tpu.dma_semaphore, #tpu.memory_space<semaphore_mem>>)
      %dma_wait3A_205 = arith.constant 0 : i32
      %dma_wait3A_206 = tpu.memref_slice %arg4[%add3A_178, %dma_wait3A_205] : memref<1638400x16xf32, #tpu.memory_space<hbm>> -> memref<2048x16xf32, #tpu.memory_space<hbm>>
      %dma_wait3A_207 = arith.constant 0 : i32
      %dma_wait3A_208 = tpu.memref_slice %arg4[%add3A_178, %dma_wait3A_207] : memref<1638400x16xf32, #tpu.memory_space<hbm>> -> memref<2048x16xf32, #tpu.memory_space<hbm>>
      tpu.wait_dma2 semaphore(%run_scoped3A : memref<!tpu.dma_semaphore, #tpu.memory_space<semaphore_mem>>) src(%arg6 : memref<2048x16xf32, #tpu.memory_space<vmem>>) dst(%dma_wait3A_208 : memref<2048x16xf32, #tpu.memory_space<hbm>>)
      tpu.yield
    }) : () -> ()
    %add3A_185 = arith.constant 47104 : i32
    %add3A_186 = arith.addi %mul3A_2, %add3A_185 : i32
    "tpu.region"() ({
      %run_scoped3A = tpu.sem_alloc : memref<!tpu.dma_semaphore, #tpu.memory_space<semaphore_mem>>
      %dma_start3A_201 = tpu.memref_slice %arg3[%add3A_186] : memref<1638400xi32, #tpu.memory_space<hbm>> -> memref<2048xi32, #tpu.memory_space<hbm>>
      %dma_start3A_202 = tpu.memref_slice %arg3[%add3A_186] : memref<1638400xi32, #tpu.memory_space<hbm>> -> memref<2048xi32, #tpu.memory_space<hbm>>
      tpu.enqueue_dma source(%dma_start3A_202 : memref<2048xi32, #tpu.memory_space<hbm>>) target(%arg5 : memref<2048xi32, #tpu.memory_space<vmem>>) target_semaphore(%run_scoped3A : memref<!tpu.dma_semaphore, #tpu.memory_space<semaphore_mem>>)
      %dma_wait3A_203 = tpu.memref_slice %arg3[%add3A_186] : memref<1638400xi32, #tpu.memory_space<hbm>> -> memref<2048xi32, #tpu.memory_space<hbm>>
      %dma_wait3A_204 = tpu.memref_slice %arg3[%add3A_186] : memref<1638400xi32, #tpu.memory_space<hbm>> -> memref<2048xi32, #tpu.memory_space<hbm>>
      tpu.wait_dma2 semaphore(%run_scoped3A : memref<!tpu.dma_semaphore, #tpu.memory_space<semaphore_mem>>) src(%dma_wait3A_204 : memref<2048xi32, #tpu.memory_space<hbm>>) dst(%arg5 : memref<2048xi32, #tpu.memory_space<vmem>>)
      tpu.yield
    }) : () -> ()
    %dma_start3A_187 = arith.constant 0 : i32
    %dma_start3A_188 = arith.constant 0 : i32
    %dma_start3A_189 = tpu.memref_slice %arg2[%dma_start3A_187, %dma_start3A_188] : memref<64x16xf32, #tpu.memory_space<hbm>> -> memref<64x16xf32, #tpu.memory_space<hbm>>
    tpu.enqueue_indirect_dma source(%dma_start3A_189 : memref<64x16xf32, #tpu.memory_space<hbm>>) target(%arg6 : memref<2048x16xf32, #tpu.memory_space<vmem>>) offsets(%arg5 : memref<2048xi32, #tpu.memory_space<vmem>>) semaphore(%arg7 : memref<!tpu.dma_semaphore, #tpu.memory_space<semaphore_mem>>)
    %dma_wait3A_190 = arith.constant 0 : i32
    %dma_wait3A_191 = arith.constant 0 : i32
    %dma_wait3A_192 = tpu.memref_slice %arg2[%dma_wait3A_190, %dma_wait3A_191] : memref<64x16xf32, #tpu.memory_space<hbm>> -> memref<64x16xf32, #tpu.memory_space<hbm>>
    tpu.wait_indirect_dma semaphore(%arg7 : memref<!tpu.dma_semaphore, #tpu.memory_space<semaphore_mem>>) src(%dma_wait3A_192 : memref<64x16xf32, #tpu.memory_space<hbm>>) dst(%arg6 : memref<2048x16xf32, #tpu.memory_space<vmem>>)
    "tpu.region"() ({
      %run_scoped3A = tpu.sem_alloc : memref<!tpu.dma_semaphore, #tpu.memory_space<semaphore_mem>>
      %dma_start3A_201 = arith.constant 0 : i32
      %dma_start3A_202 = tpu.memref_slice %arg4[%add3A_186, %dma_start3A_201] : memref<1638400x16xf32, #tpu.memory_space<hbm>> -> memref<2048x16xf32, #tpu.memory_space<hbm>>
      %dma_start3A_203 = arith.constant 0 : i32
      %dma_start3A_204 = tpu.memref_slice %arg4[%add3A_186, %dma_start3A_203] : memref<1638400x16xf32, #tpu.memory_space<hbm>> -> memref<2048x16xf32, #tpu.memory_space<hbm>>
      tpu.enqueue_dma source(%arg6 : memref<2048x16xf32, #tpu.memory_space<vmem>>) target(%dma_start3A_204 : memref<2048x16xf32, #tpu.memory_space<hbm>>) target_semaphore(%run_scoped3A : memref<!tpu.dma_semaphore, #tpu.memory_space<semaphore_mem>>)
      %dma_wait3A_205 = arith.constant 0 : i32
      %dma_wait3A_206 = tpu.memref_slice %arg4[%add3A_186, %dma_wait3A_205] : memref<1638400x16xf32, #tpu.memory_space<hbm>> -> memref<2048x16xf32, #tpu.memory_space<hbm>>
      %dma_wait3A_207 = arith.constant 0 : i32
      %dma_wait3A_208 = tpu.memref_slice %arg4[%add3A_186, %dma_wait3A_207] : memref<1638400x16xf32, #tpu.memory_space<hbm>> -> memref<2048x16xf32, #tpu.memory_space<hbm>>
      tpu.wait_dma2 semaphore(%run_scoped3A : memref<!tpu.dma_semaphore, #tpu.memory_space<semaphore_mem>>) src(%arg6 : memref<2048x16xf32, #tpu.memory_space<vmem>>) dst(%dma_wait3A_208 : memref<2048x16xf32, #tpu.memory_space<hbm>>)
      tpu.yield
    }) : () -> ()
    %add3A_193 = arith.constant 49152 : i32
    %add3A_194 = arith.addi %mul3A_2, %add3A_193 : i32
    "tpu.region"() ({
      %run_scoped3A = tpu.sem_alloc : memref<!tpu.dma_semaphore, #tpu.memory_space<semaphore_mem>>
      %dma_start3A_201 = tpu.memref_slice %arg3[%add3A_194] : memref<1638400xi32, #tpu.memory_space<hbm>> -> memref<2048xi32, #tpu.memory_space<hbm>>
      %dma_start3A_202 = tpu.memref_slice %arg3[%add3A_194] : memref<1638400xi32, #tpu.memory_space<hbm>> -> memref<2048xi32, #tpu.memory_space<hbm>>
      tpu.enqueue_dma source(%dma_start3A_202 : memref<2048xi32, #tpu.memory_space<hbm>>) target(%arg5 : memref<2048xi32, #tpu.memory_space<vmem>>) target_semaphore(%run_scoped3A : memref<!tpu.dma_semaphore, #tpu.memory_space<semaphore_mem>>)
      %dma_wait3A_203 = tpu.memref_slice %arg3[%add3A_194] : memref<1638400xi32, #tpu.memory_space<hbm>> -> memref<2048xi32, #tpu.memory_space<hbm>>
      %dma_wait3A_204 = tpu.memref_slice %arg3[%add3A_194] : memref<1638400xi32, #tpu.memory_space<hbm>> -> memref<2048xi32, #tpu.memory_space<hbm>>
      tpu.wait_dma2 semaphore(%run_scoped3A : memref<!tpu.dma_semaphore, #tpu.memory_space<semaphore_mem>>) src(%dma_wait3A_204 : memref<2048xi32, #tpu.memory_space<hbm>>) dst(%arg5 : memref<2048xi32, #tpu.memory_space<vmem>>)
      tpu.yield
    }) : () -> ()
    %dma_start3A_195 = arith.constant 0 : i32
    %dma_start3A_196 = arith.constant 0 : i32
    %dma_start3A_197 = tpu.memref_slice %arg2[%dma_start3A_195, %dma_start3A_196] : memref<64x16xf32, #tpu.memory_space<hbm>> -> memref<64x16xf32, #tpu.memory_space<hbm>>
    tpu.enqueue_indirect_dma source(%dma_start3A_197 : memref<64x16xf32, #tpu.memory_space<hbm>>) target(%arg6 : memref<2048x16xf32, #tpu.memory_space<vmem>>) offsets(%arg5 : memref<2048xi32, #tpu.memory_space<vmem>>) semaphore(%arg7 : memref<!tpu.dma_semaphore, #tpu.memory_space<semaphore_mem>>)
    %dma_wait3A_198 = arith.constant 0 : i32
    %dma_wait3A_199 = arith.constant 0 : i32
    %dma_wait3A_200 = tpu.memref_slice %arg2[%dma_wait3A_198, %dma_wait3A_199] : memref<64x16xf32, #tpu.memory_space<hbm>> -> memref<64x16xf32, #tpu.memory_space<hbm>>
    tpu.wait_indirect_dma semaphore(%arg7 : memref<!tpu.dma_semaphore, #tpu.memory_space<semaphore_mem>>) src(%dma_wait3A_200 : memref<64x16xf32, #tpu.memory_space<hbm>>) dst(%arg6 : memref<2048x16xf32, #tpu.memory_space<vmem>>)
    "tpu.region"() ({
      %run_scoped3A = tpu.sem_alloc : memref<!tpu.dma_semaphore, #tpu.memory_space<semaphore_mem>>
      %dma_start3A_201 = arith.constant 0 : i32
      %dma_start3A_202 = tpu.memref_slice %arg4[%add3A_194, %dma_start3A_201] : memref<1638400x16xf32, #tpu.memory_space<hbm>> -> memref<2048x16xf32, #tpu.memory_space<hbm>>
      %dma_start3A_203 = arith.constant 0 : i32
      %dma_start3A_204 = tpu.memref_slice %arg4[%add3A_194, %dma_start3A_203] : memref<1638400x16xf32, #tpu.memory_space<hbm>> -> memref<2048x16xf32, #tpu.memory_space<hbm>>
      tpu.enqueue_dma source(%arg6 : memref<2048x16xf32, #tpu.memory_space<vmem>>) target(%dma_start3A_204 : memref<2048x16xf32, #tpu.memory_space<hbm>>) target_semaphore(%run_scoped3A : memref<!tpu.dma_semaphore, #tpu.memory_space<semaphore_mem>>)
      %dma_wait3A_205 = arith.constant 0 : i32
      %dma_wait3A_206 = tpu.memref_slice %arg4[%add3A_194, %dma_wait3A_205] : memref<1638400x16xf32, #tpu.memory_space<hbm>> -> memref<2048x16xf32, #tpu.memory_space<hbm>>
      %dma_wait3A_207 = arith.constant 0 : i32
      %dma_wait3A_208 = tpu.memref_slice %arg4[%add3A_194, %dma_wait3A_207] : memref<1638400x16xf32, #tpu.memory_space<hbm>> -> memref<2048x16xf32, #tpu.memory_space<hbm>>
      tpu.wait_dma2 semaphore(%run_scoped3A : memref<!tpu.dma_semaphore, #tpu.memory_space<semaphore_mem>>) src(%arg6 : memref<2048x16xf32, #tpu.memory_space<vmem>>) dst(%dma_wait3A_208 : memref<2048x16xf32, #tpu.memory_space<hbm>>)
      tpu.yield
    }) : () -> ()
    return
  }
}

module attributes {stable_mosaic.version = 14 : i64} {
  func.func @_pairs_body(%arg0: i32, %arg1: memref<512x200xi32, #tpu.memory_space<vmem>>, %arg2: memref<512x100xi32, #tpu.memory_space<vmem>>) attributes {dimension_semantics = [#tpu.dimension_semantics<arbitrary>], iteration_bounds = array<i64: 32>, scalar_prefetch = 0 : i64, scratch_operands = 0 : i64, tpu.core_type = #tpu.core_type<tc>, window_params = [{transform_indices = @transform_0, window_bounds = array<i64: 512, 200>}, {transform_indices = @transform_1, window_bounds = array<i64: 512, 100>}]} {
    %get3A = arith.constant 0 : index
    %get3A_0 = arith.constant 0 : index
    %get3A_1 = vector.load %arg1[%get3A, %get3A_0] : memref<512x200xi32, #tpu.memory_space<vmem>>, vector<512x200xi32>
    %convert_element_type3A = arith.sitofp %get3A_1 : vector<512x200xi32> to vector<512x200xf32>
    %iota3A = tpu.iota {dimensions = array<i32: 0>} : vector<200x100xi32>
    %iota3A_2 = tpu.iota {dimensions = array<i32: 1>} : vector<200x100xi32>
    %mul3A = arith.constant 2 : i32
    %mul3A_3 = vector.broadcast %mul3A : i32 to vector<200x100xi32>
    %mul3A_4 = arith.muli %mul3A_3, %iota3A_2 : vector<200x100xi32>
    %eq3A = arith.cmpi eq, %iota3A, %mul3A_4 : vector<200x100xi32>
    %convert_element_type3A_5 = arith.extui %eq3A : vector<200x100xi1> to vector<200x100xi32>
    %convert_element_type3A_6 = arith.sitofp %convert_element_type3A_5 : vector<200x100xi32> to vector<200x100xf32>
    %mul3A_7 = arith.constant 2 : i32
    %mul3A_8 = vector.broadcast %mul3A_7 : i32 to vector<200x100xi32>
    %mul3A_9 = arith.muli %mul3A_8, %iota3A_2 : vector<200x100xi32>
    %add3A = arith.constant 1 : i32
    %add3A_10 = vector.broadcast %add3A : i32 to vector<200x100xi32>
    %add3A_11 = arith.addi %mul3A_9, %add3A_10 : vector<200x100xi32>
    %eq3A_12 = arith.cmpi eq, %iota3A, %add3A_11 : vector<200x100xi32>
    %convert_element_type3A_13 = arith.extui %eq3A_12 : vector<200x100xi1> to vector<200x100xi32>
    %convert_element_type3A_14 = arith.sitofp %convert_element_type3A_13 : vector<200x100xi32> to vector<200x100xf32>
    %dot_general3A = arith.constant dense<0.000000e+00> : vector<512x100xf32>
    %dot_general3A_15 = tpu.matmul %convert_element_type3A, %convert_element_type3A_6, %dot_general3A {dimension_numbers = #tpu.dot_dimension_numbers<[1], [0], [0], [1], [0, 0, 1, 1], [], []>, transpose_lhs_hint = false} : vector<512x200xf32>, vector<200x100xf32>, vector<512x100xf32> -> vector<512x100xf32>
    %mul3A_16 = arith.constant 8.000000e+00 : f32
    %mul3A_17 = vector.broadcast %mul3A_16 : f32 to vector<512x100xf32>
    %mul3A_18 = arith.mulf %mul3A_17, %dot_general3A_15 : vector<512x100xf32>
    %dot_general3A_19 = arith.constant dense<0.000000e+00> : vector<512x100xf32>
    %dot_general3A_20 = tpu.matmul %convert_element_type3A, %convert_element_type3A_14, %dot_general3A_19 {dimension_numbers = #tpu.dot_dimension_numbers<[1], [0], [0], [1], [0, 0, 1, 1], [], []>, transpose_lhs_hint = false} : vector<512x200xf32>, vector<200x100xf32>, vector<512x100xf32> -> vector<512x100xf32>
    %add3A_21 = arith.addf %mul3A_18, %dot_general3A_20 : vector<512x100xf32>
    %convert_element_type3A_22 = arith.fptosi %add3A_21 : vector<512x100xf32> to vector<512x100xi32>
    %swap3A = arith.constant 0 : index
    %swap3A_23 = arith.constant 0 : index
    %swap3A_24 = vector.load %arg2[%swap3A, %swap3A_23] : memref<512x100xi32, #tpu.memory_space<vmem>>, vector<512x100xi32>
    tpu.vector_store %arg2[%swap3A, %swap3A_23], %convert_element_type3A_22 {strides = array<i32>} : memref<512x100xi32, #tpu.memory_space<vmem>>, vector<512x100xi32>,
    return
  }
  func.func @transform_0(%arg0: i32) -> (i32, i32) {
    %c0_i32 = arith.constant 0 : i32
    %c0_i32_0 = arith.constant 0 : i32
    return %arg0, %c0_i32 : i32, i32
  }
  func.func @transform_1(%arg0: i32) -> (i32, i32) {
    %c0_i32 = arith.constant 0 : i32
    %c0_i32_0 = arith.constant 0 : i32
    return %arg0, %c0_i32 : i32, i32
  }
}

module attributes {stable_mosaic.version = 14 : i64} {
  func.func @_mpair_body(%arg0: memref<8x16xf32, #tpu.memory_space<vmem>>, %arg1: memref<8x16xf32, #tpu.memory_space<vmem>>, %arg2: memref<1x8xf32, #tpu.memory_space<vmem>>, %arg3: memref<64x16xf32, #tpu.memory_space<vmem>>) attributes {dimension_semantics = [], scalar_prefetch = 0 : i64, scratch_operands = 0 : i64, tpu.core_type = #tpu.core_type<tc>} {
    %get3A = arith.constant 0 : index
    %get3A_0 = arith.constant 0 : index
    %get3A_1 = vector.load %arg0[%get3A, %get3A_0] : memref<8x16xf32, #tpu.memory_space<vmem>>, vector<8x16xf32>
    %get3A_2 = arith.constant 0 : index
    %get3A_3 = arith.constant 0 : index
    %get3A_4 = vector.load %arg1[%get3A_2, %get3A_3] : memref<8x16xf32, #tpu.memory_space<vmem>>, vector<8x16xf32>
    %dot_general3A = arith.constant dense<0.000000e+00> : vector<8x8xf32>
    %dot_general3A_5 = tpu.matmul %get3A_1, %get3A_4, %dot_general3A {dimension_numbers = #tpu.dot_dimension_numbers<[1], [1], [0], [0], [0, 0, 1, 0], [], []>, transpose_lhs_hint = false} : vector<8x16xf32>, vector<8x16xf32>, vector<8x8xf32> -> vector<8x8xf32>
    %get3A_6 = arith.constant 0 : index
    %get3A_7 = arith.constant 0 : index
    %get3A_8 = vector.load %arg2[%get3A_6, %get3A_7] : memref<1x8xf32, #tpu.memory_space<vmem>>, vector<1x8xf32>
    %add3A = vector.broadcast %get3A_8 : vector<1x8xf32> to vector<8x8xf32>
    %add3A_9 = arith.addf %dot_general3A_5, %add3A : vector<8x8xf32>
    %iota3A = tpu.iota {dimensions = array<i32: 0>} : vector<64x8xi32>
    %iota3A_10 = tpu.iota {dimensions = array<i32: 1>} : vector<64x8xi32>
    %jit3A = arith.constant 8 : i32
    %div3A = vector.broadcast %jit3A : i32 to vector<64x8xi32>
    %div3A_11 = arith.divsi %iota3A, %div3A : vector<64x8xi32>
    %sign3A = arith.constant 0 : i32
    %sign3A_12 = vector.broadcast %sign3A : i32 to vector<64x8xi32>
    %sign3A_13 = arith.cmpi sgt, %iota3A, %sign3A_12 : vector<64x8xi32>
    %sign3A_14 = arith.extui %sign3A_13 : vector<64x8xi1> to vector<64x8xi32>
    %sign3A_15 = arith.constant 0 : i32
    %sign3A_16 = vector.broadcast %sign3A_15 : i32 to vector<64x8xi32>
    %sign3A_17 = arith.cmpi slt, %iota3A, %sign3A_16 : vector<64x8xi32>
    %sign3A_18 = arith.extui %sign3A_17 : vector<64x8xi1> to vector<64x8xi32>
    %sign3A_19 = arith.subi %sign3A_14, %sign3A_18 : vector<64x8xi32>
    %sign3A_20 = arith.constant 0 : i32
    %sign3A_21 = arith.cmpi sgt, %jit3A, %sign3A_20 : i32
    %sign3A_22 = arith.extui %sign3A_21 : i1 to i32
    %sign3A_23 = arith.constant 0 : i32
    %sign3A_24 = arith.cmpi slt, %jit3A, %sign3A_23 : i32
    %sign3A_25 = arith.extui %sign3A_24 : i1 to i32
    %sign3A_26 = arith.subi %sign3A_22, %sign3A_25 : i32
    %ne3A = vector.broadcast %sign3A_26 : i32 to vector<64x8xi32>
    %ne3A_27 = arith.cmpi ne, %sign3A_19, %ne3A : vector<64x8xi32>
    %rem3A = vector.broadcast %jit3A : i32 to vector<64x8xi32>
    %rem3A_28 = arith.remsi %iota3A, %rem3A : vector<64x8xi32>
    %ne3A_29 = arith.constant 0 : i32
    %ne3A_30 = vector.broadcast %ne3A_29 : i32 to vector<64x8xi32>
    %ne3A_31 = arith.cmpi ne, %rem3A_28, %ne3A_30 : vector<64x8xi32>
    %and3A = arith.andi %ne3A_27, %ne3A_31 : vector<64x8xi1>
    %sub3A = arith.constant 1 : i32
    %sub3A_32 = vector.broadcast %sub3A : i32 to vector<64x8xi32>
    %sub3A_33 = arith.subi %div3A_11, %sub3A_32 : vector<64x8xi32>
    %select_n3A = arith.select %and3A, %sub3A_33, %div3A_11 : vector<64x8xi1>, vector<64x8xi32>
    %eq3A = arith.cmpi eq, %select_n3A, %iota3A_10 : vector<64x8xi32>
    %convert_element_type3A = arith.extui %eq3A : vector<64x8xi1> to vector<64x8xi32>
    %convert_element_type3A_34 = arith.sitofp %convert_element_type3A : vector<64x8xi32> to vector<64x8xf32>
    %jit3A_35 = arith.constant 8 : i32
    %eq3A_36 = arith.constant 0 : i32
    %eq3A_37 = arith.cmpi eq, %jit3A_35, %eq3A_36 : i32
    %jit3A_38 = arith.constant 1 : i32
    %select_n3A_39 = arith.select %eq3A_37, %jit3A_38, %jit3A_35 : i32
    %rem3A_40 = vector.broadcast %select_n3A_39 : i32 to vector<64x8xi32>
    %rem3A_41 = arith.remsi %iota3A, %rem3A_40 : vector<64x8xi32>
    %ne3A_42 = arith.constant 0 : i32
    %ne3A_43 = vector.broadcast %ne3A_42 : i32 to vector<64x8xi32>
    %ne3A_44 = arith.cmpi ne, %rem3A_41, %ne3A_43 : vector<64x8xi32>
    %lt3A = arith.constant 0 : i32
    %lt3A_45 = vector.broadcast %lt3A : i32 to vector<64x8xi32>
    %lt3A_46 = arith.cmpi slt, %rem3A_41, %lt3A_45 : vector<64x8xi32>
    %lt3A_47 = arith.constant 0 : i32
    %lt3A_48 = arith.cmpi slt, %select_n3A_39, %lt3A_47 : i32
    %ne3A_49 = vector.broadcast %lt3A_48 : i1 to vector<64x8xi1>
    %ne3A_50 = vector.broadcast %ne3A_49 : vector<64x8xi1> to vector<64x8xi1>
    %ne3A_51 = arith.xori %lt3A_46, %ne3A_50 : vector<64x8xi1>
    %and3A_52 = arith.andi %ne3A_51, %ne3A_44 : vector<64x8xi1>
    %add3A_53 = vector.broadcast %select_n3A_39 : i32 to vector<64x8xi32>
    %add3A_54 = arith.addi %rem3A_41, %add3A_53 : vector<64x8xi32>
    %select_n3A_55 = arith.select %and3A_52, %add3A_54, %rem3A_41 : vector<64x8xi1>, vector<64x8xi32>
    %eq3A_56 = arith.cmpi eq, %select_n3A_55, %iota3A_10 : vector<64x8xi32>
    %convert_element_type3A_57 = arith.extui %eq3A_56 : vector<64x8xi1> to vector<64x8xi32>
    %convert_element_type3A_58 = arith.sitofp %convert_element_type3A_57 : vector<64x8xi32> to vector<64x8xf32>
    %iota3A_59 = tpu.iota {dimensions = array<i32: 0>} : vector<8x16xi32>
    %iota3A_60 = tpu.iota {dimensions = array<i32: 1>} : vector<8x16xi32>
    %eq3A_61 = arith.cmpi eq, %iota3A_60, %iota3A_59 : vector<8x16xi32>
    %convert_element_type3A_62 = arith.extui %eq3A_61 : vector<8x16xi1> to vector<8x16xi32>
    %convert_element_type3A_63 = arith.sitofp %convert_element_type3A_62 : vector<8x16xi32> to vector<8x16xf32>
    %add3A_64 = arith.constant 8 : i32
    %add3A_65 = vector.broadcast %add3A_64 : i32 to vector<8x16xi32>
    %add3A_66 = arith.addi %iota3A_59, %add3A_65 : vector<8x16xi32>
    %eq3A_67 = arith.cmpi eq, %iota3A_60, %add3A_66 : vector<8x16xi32>
    %convert_element_type3A_68 = arith.extui %eq3A_67 : vector<8x16xi1> to vector<8x16xi32>
    %convert_element_type3A_69 = arith.sitofp %convert_element_type3A_68 : vector<8x16xi32> to vector<8x16xf32>
    %dot_general3A_70 = arith.constant dense<0.000000e+00> : vector<8x16xf32>
    %dot_general3A_71 = tpu.matmul %add3A_9, %convert_element_type3A_63, %dot_general3A_70 {dimension_numbers = #tpu.dot_dimension_numbers<[1], [0], [0], [1], [0, 0, 1, 1], [], []>, transpose_lhs_hint = false} : vector<8x8xf32>, vector<8x16xf32>, vector<8x16xf32> -> vector<8x16xf32>
    %dot_general3A_72 = arith.constant dense<0.000000e+00> : vector<64x16xf32>
    %dot_general3A_73 = tpu.matmul %convert_element_type3A_34, %dot_general3A_71, %dot_general3A_72 {dimension_numbers = #tpu.dot_dimension_numbers<[1], [0], [0], [1], [0, 0, 1, 1], [], []>, transpose_lhs_hint = false} : vector<64x8xf32>, vector<8x16xf32>, vector<64x16xf32> -> vector<64x16xf32>
    %dot_general3A_74 = arith.constant dense<0.000000e+00> : vector<8x16xf32>
    %dot_general3A_75 = tpu.matmul %add3A_9, %convert_element_type3A_69, %dot_general3A_74 {dimension_numbers = #tpu.dot_dimension_numbers<[1], [0], [0], [1], [0, 0, 1, 1], [], []>, transpose_lhs_hint = false} : vector<8x8xf32>, vector<8x16xf32>, vector<8x16xf32> -> vector<8x16xf32>
    %dot_general3A_76 = arith.constant dense<0.000000e+00> : vector<64x16xf32>
    %dot_general3A_77 = tpu.matmul %convert_element_type3A_58, %dot_general3A_75, %dot_general3A_76 {dimension_numbers = #tpu.dot_dimension_numbers<[1], [0], [0], [1], [0, 0, 1, 1], [], []>, transpose_lhs_hint = false} : vector<64x8xf32>, vector<8x16xf32>, vector<64x16xf32> -> vector<64x16xf32>
    %add3A_78 = arith.addf %dot_general3A_73, %dot_general3A_77 : vector<64x16xf32>
    %swap3A = arith.constant 0 : index
    %swap3A_79 = arith.constant 0 : index
    %swap3A_80 = vector.load %arg3[%swap3A, %swap3A_79] : memref<64x16xf32, #tpu.memory_space<vmem>>, vector<64x16xf32>
    tpu.vector_store %arg3[%swap3A, %swap3A_79], %add3A_78 {strides = array<i32>} : memref<64x16xf32, #tpu.memory_space<vmem>>, vector<64x16xf32>,
    return
  }
}

</mosaic_0001>

<sc_bundles>
// kernel: kernel.5.cloned.1.call-start
scs
__scs_entry_jumppad:
0x0: {  	(pc) =	sbr.rel $0x88, $3  }
0x1: {  	(tag) =	ssettag $0x0;
	lr =	simm.s32 $0x1  }
0x2: {  	[smem:$0x3F9D] =	sst lr;
	_ =	strace $0xD0000000  }
0x3: {  	_ = 	snop  }
0x4: {  	_ = 	snop  }
0x5: {  	_ = 	snop  }
0x6: {  	_ = 	snop  }
0x7: {  	_ = 	snop  }
__scs_overlays_trampoline_lowered:
0x8: {  	[smem:$0x3FAC] =	sst s0  }
0x9: {  	[smem:$0x3FAD] =	sst s1  }
0xa: {  	[smem:$0x3FAE] =	sst s2  }
0xb: {  	[smem:$0x3FAF] =	sst s3  }
0xc: {  	[smem:$0x3FB0] =	sst s4  }
0xd: {  	[smem:$0x3FB1] =	sst s5  }
0xe: {  	[smem:$0x3FB2] =	sst s6  }
0xf: {  	[smem:$0x3FB3] =	sst s7  }
0x10: {  	[smem:$0x3FB4] =	sst s8  }
0x11: {  	[smem:$0x3FB5] =	sst s9;
	s0 =	simm.s32 @!p0 $0x0  }
0x12: {  	s1 =	sld [smem:$0x3F9B];
	s0 =	simm.s32 @p0 $0x1  }
0x13: {  	[smem:$0x3FB6] =	sst s0;
	s0 =	simm.s32 @!p1 $0x0  }
0x14: {  	s2 =	sld [smem:$0x3F9A];
	s0 =	simm.s32 @p1 $0x1  }
0x15: {  	[smem:$0x3FB7] =	sst s0;
	s0 =	simm.s32 @!p2 $0x0  }
0x16: {  	s3 =	sld [smem:$0x3FDB];
	s0 =	simm.s32 @p2 $0x1  }
0x17: {  	s4 =	simm.s32 $0x1BF5;
	[smem:$0x3FB9] =	sst s0  }
0x18: {  	s0 =	sld [smem:$0x3F9C];
	_ =	swait.ge [sflag:s4], $0x0  }
0x19: {  	s7 =	sld [smem:$0x3F9D]  }
0x1a: {  	s8 =	sadd.s32 $0xFFFFE003, lr  }
0x1b: {  	s9 =	sadd.s32 $0xFFFFFEF7, lr;
	s5 =	simm.s32 $0xFFFFFFFF;
	p2 =	slt.u32 s8, $0xFFFFF086  }
0x1c: {  	p1 =	slt.u32 s9, $0xF7A;
	s5 =	simm.s32 @!p2 $0x0  }
0x1d: {  	s5 =	simm.s32 @p1 $0x1;
	p0 =	seq.s32 s7, s2  }
0x1e: {  	s7 =	smul.u32 @!p0 $0xF7A, s2;
	p2 =	seq.s32 @!p0 s5, $0x0  }
0x1f: {  	s9 =	smul.u32 $0xF7A, s1;
	s8 =	simm.s32 @!p0 $0x1BF5;
	p2 =	por !p2, p0  }
0x20: {  	[sflag:s8] =	ssyncset.s32 @!p0 $0xFFFFF086;
	s6 =	sadd.s32 @!p0 s3, s7;
	s7 =	simm.s32 @!p0 $0x108  }
0x21: {  	s3 =	sadd.s32 s3, s9;
	s6 =	sadd.s32 @!p0 $0x88, s6;
	s7 =	simm.s32 @p2 $0x1082  }
0x22: {  	[simem:s7], [sflag:s8] =	dma.local @!p0 [hbm:s6], $0xF7A  }
0x23: {  	s9 =	sor.u32 $0xD0000000, s2;
	s6 =	simm.s32 $0x108;
	_ =	swait.ge @!p0 [sflag:s8], $0x0  }
0x24: {  	s3 =	sadd.s32 $0x88, s3;
	s6 =	simm.s32 @!p1 $0x1082;
	[sflag:s4] =	ssyncset.s32 $0xFFFFF086  }
0x25: {  	[simem:s6], [sflag:s4] =	dma.local [hbm:s3], $0xF7A  }
0x26: {  	[smem:$0x3F9D] =	sst s1;
	(tag) =	ssettag s2;
	_ =	strace s9  }
0x27: {  	s1 =	sld [smem:$0x3FAD]  }
0x28: {  	s2 =	sld [smem:$0x3FAE]  }
0x29: {  	s4 =	sld [smem:$0x3FB0]  }
0x2a: {  	p0 =	seq.s32 s5, $0x0;
	s5 =	sld [smem:$0x3FB1]  }
0x2b: {  	s6 =	sld [smem:$0x3FB2]  }
0x2c: {  	s7 =	sld [smem:$0x3FB3]  }
0x2d: {  	s3 =	simm.s32 $0x108;
	s8 =	sld [smem:$0x3FB4]  }
0x2e: {  	s3 =	simm.s32 @!p0 $0x1082;
	s9 =	sld [smem:$0x3FB5]  }
0x2f: {  	lr =	sadd.s32 s0, s3;
	s0 =	sld [smem:$0x3FAC]  }
0x30: {  	s3 =	sld [smem:$0x3FAF]  }
0x31: {  	[smem:$0x3FB8] =	sst s10  }
0x32: {  	s10 =	sld [smem:$0x3FB6];
	_ =	sdelay $0x3  }
0x33: {  	p0 =	seq.s32 s10, $0x1;
	s10 =	sld [smem:$0x3FB8];
	_ =	sdelay $0x3  }
0x34: {  	[smem:$0x3FB8] =	sst s10  }
0x35: {  	s10 =	sld [smem:$0x3FB7];
	_ =	sdelay $0x3  }
0x36: {  	p1 =	seq.s32 s10, $0x1;
	s10 =	sld [smem:$0x3FB8];
	_ =	sdelay $0x3  }
0x37: {  	[smem:$0x3FB8] =	sst s10  }
0x38: {  	s10 =	sld [smem:$0x3FB9]  }
0x39: {  	_ = 	snop;
	(pc) =	sbr.ind lr, $3  }
0x3a: {  	_ = 	snop  }
0x3b: {  	_ = 	snop  }
0x3c: {  	p2 =	seq.s32 s10, $0x1;
	s10 =	sld [smem:$0x3FB8]  }
0x3d: {  	_ =	shalt  }
0x3e: {  	_ =	shalt  }
0x3f: {  	_ =	shalt  }
0x40: {  	_ =	shalt  }
0x41: {  	_ =	shalt  }
0x42: {  	_ =	shalt  }
0x43: {  	_ =	shalt  }
0x44: {  	_ =	shalt  }
0x45: {  	_ =	shalt  }
0x46: {  	_ =	shalt  }
0x47: {  	_ =	shalt  }
0x48: {  	_ =	shalt  }
0x49: {  	_ =	shalt  }
0x4a: {  	_ =	shalt  }
0x4b: {  	_ =	shalt  }
0x4c: {  	_ =	shalt  }
0x4d: {  	_ =	shalt  }
0x4e: {  	_ =	shalt  }
0x4f: {  	_ =	shalt  }
0x50: {  	_ =	shalt  }
0x51: {  	_ =	shalt  }
0x52: {  	_ =	shalt  }
0x53: {  	_ =	shalt  }
0x54: {  	_ =	shalt  }
0x55: {  	_ =	shalt  }
0x56: {  	_ =	shalt  }
0x57: {  	_ =	shalt  }
0x58: {  	_ =	shalt  }
0x59: {  	_ =	shalt  }
0x5a: {  	_ =	shalt  }
0x5b: {  	_ =	shalt  }
0x5c: {  	_ =	shalt  }
0x5d: {  	_ =	shalt  }
0x5e: {  	_ =	shalt  }
0x5f: {  	_ =	shalt  }
0x60: {  	_ =	shalt  }
0x61: {  	_ =	shalt  }
0x62: {  	_ =	shalt  }
0x63: {  	_ =	shalt  }
0x64: {  	_ =	shalt  }
0x65: {  	_ =	shalt  }
0x66: {  	_ =	shalt  }
0x67: {  	_ =	shalt  }
0x68: {  	_ =	shalt  }
0x69: {  	_ =	shalt  }
0x6a: {  	_ =	shalt  }
0x6b: {  	_ =	shalt  }
0x6c: {  	_ =	shalt  }
0x6d: {  	_ =	shalt  }
0x6e: {  	_ =	shalt  }
0x6f: {  	_ =	shalt  }
0x70: {  	_ =	shalt  }
0x71: {  	_ =	shalt  }
0x72: {  	_ =	shalt  }
0x73: {  	_ =	shalt  }
0x74: {  	_ =	shalt  }
0x75: {  	_ =	shalt  }
0x76: {  	_ =	shalt  }
0x77: {  	_ =	shalt  }
0x78: {  	_ =	shalt  }
0x79: {  	_ =	shalt  }
0x7a: {  	_ =	shalt  }
0x7b: {  	_ =	shalt  }
0x7c: {  	_ =	shalt  }
0x7d: {  	_ =	shalt  }
0x7e: {  	_ =	shalt  }
0x7f: {  	_ =	shalt  }
0x80: {  	_ =	shalt  }
0x81: {  	_ =	shalt  }
0x82: {  	_ =	shalt  }
0x83: {  	_ =	shalt  }
0x84: {  	_ =	shalt  }
0x85: {  	_ =	shalt  }
0x86: {  	_ =	shalt  }
0x87: {  	_ =	shalt  }
.Lfunc_end0:
.L_simem_size_0:
called_computation.1_lowered:
.L_overlay_start_0:
0x88: {  	s2 =	sld [smem:$0x3FD9]  }
0x89: {  	s3 =	sld [smem:$0x3FFE];
	_ =	sdelay $0x1  }
0x8a: {  	s1 =	srdreg.scid  }
0x8b: {  	s0 =	sand.u32 $0x1, s1  }
0x8c: {  	s17 =	sshll.u32 s0, $0xA;
	s2 =	sadd.s32 s3, s2  }
0x8d: {  	s2 =	sadd.s32 s2, s17  }
0x8e: {  	[smem:$0x3FC4] =	sst s2  }
0x8f: {  	_ = 	snop  }
0x90: {  	s2 =	sld [smem:$0x3FD0];
	(tm) =	ssettm $0x1  }
0x91: {  	s18 =	sld [smem:$0x3FFB];
	_ =	sdelay $0x3  }
0x92: {  	_ =	strace s18  }
0x93: {  	s3 =	sld [smem:$0x3FFC];
	_ =	sdelay $0x3  }
0x94: {  	_ =	strace s3  }
0x95: {  	s3 =	sld [smem:$0x3FFD];
	_ =	sdelay $0x3  }
0x96: {  	_ =	strace s3  }
0x97: {  	_ =	strace $0x8FFFFFFF  }
0x98: {  	s19 =	sld [smem:$0x3FDB];
	_ =	sdelay $0x1  }
0x99: {  	s4 =	simm.s32 $_scs_section_size  }
0x9a: {  	s5 =	simm.s32 $_size__tile_overlayer_lowered;
	s6 =	simm.s32 $_tile_overlayer_lowered  }
0x9b: {  	s22 =	simm.s32 $0x1BFF;
	s21 =	sshll.u32 s6, $0x1;
	s3 =	sadd.s32 s4, s19  }
0x9c: {  	s7 =	simm.s32 $0x0;
	s20 =	sshll.u32 s5, $0x1;
	s5 =	sadd.s32 s21, s3  }
0x9d: {  	[timem:s7], [sflag:s22] =	dma.local [hbm:s5], s20  }
0x9e: {  	_ =	swait.ge [sflag:s22], s20  }
0x9f: {  	s4 =	ssub.s32 $0x0, s20;
	[sflag:s22] =	ssyncset.done $0x0  }
0xa0: {  	[sflag:s22] =	ssyncadd.s32 s4;
	_ =	sdelay $0x1  }
0xa1: {  	s23 =	simm.s32 $0x1B8B  }
0xa2: {  	_ =	swait.ge [sflag:s23], $0x1  }
0xa3: {  	[sflag:s23] =	ssyncset.done $0x0  }
0xa4: {  	s25 =	simm.s32 $0x1B8E;
	s24 =	sld [smem:$0x3FFE];
	[sflag:s23] =	ssyncadd.s32 $0xFFFFFFFF  }
0xa5: {  	s26 =	simm.s32 $execute0_lowered;
	[smem:$0x3FD2] =	sst s25  }
0xa6: {  	s5 =	sshll.u32 s26, $0x1;
	_ =	strace $0x80000046;
	[dreg:$0x1] =	wrdreg $0xFFFFFFFF  }
0xa7: {  	s28 =	simm.s32 $_size_execute0_lowered;
	s3 =	sadd.s32 s3, s5;
	[dreg:$0x0] =	wrdreg $0x0  }
0xa8: {  	s5 =	sshll.u32 s28, $0x1;
	[dreg:$0x2] =	wrdreg s3  }
0xa9: {  	[dreg:$0x3] =	wrdreg s5  }
0xaa: {  	[dreg:$0x4] =	wrdreg $0xC0  }
0xab: {  	_ =	task [dreg:s7], $0x5FFFF  }
0xac: {  	[dreg:$0x1] =	wrdreg $0xFFFFFFFF  }
0xad: {  	[dreg:$0x0] =	wrdreg $0x60  }
0xae: {  	[dreg:$0x2] =	wrdreg s24  }
0xaf: {  	[dreg:$0x3] =	wrdreg s2  }
0xb0: {  	[dreg:$0x4] =	wrdreg $0x9  }
0xb1: {  	_ =	task.clear_ibuf [dreg:s7], $0x5FFFF;
	_ =	strace $0x90000046  }
0xb2: {  	s29 =	simm.s32 $0x9;
	_ =	strace $0x80000048  }
0xb3: {  	_ =	swait.ge [sflag:s29], $0x1  }
0xb4: {  	[sflag:s29] =	ssyncadd.s32 $0xFFFFFFFF  }
0xb5: {  	_ =	strace $0x90000048  }
0xb6: {  	_ =	sfence  }
0xb7: {  	s30 =	sld [smem:$0x0];
	_ =	sdelay $0x2  }
0xb8: {  	s31 =	sshll.u32 s1, $0xD;
	s1 =	sshrl.u32 s1, $0x2  }
0xb9: {  	s3 =	sand.u32 $0x4000, s31;
	s1 =	sadd.s32 s1, s30  }
0xba: {  	s0 =	sor.u32 s3, s0;
	s1 =	sshll.u32 s1, $0x11  }
0xbb: {  	s0 =	sor.u32 s1, s0  }
0xbc: {  	s0 =	sadd.s32 $0x8F2B, s0  }
0xbd: {  	[sflag:s0] =	ssyncadd.remote.s32 $0x1  }
0xbe: {  	_ =	sfence.sel $0xFFFF  }
0xbf: {  	[dreg:$0x0] =	wrdreg $0xFFFFFFFF;
	(pc) =	sbr.abs _section_cstart, $3  }
0xc0: {  	[dreg:$0x1] =	wrdreg $0xFFFFFFFF  }
0xc1: {  	_ =	task.clear_ibuf [dreg:s7], $0x2FFFF;
	_ =	strace $0x9FFFFFFF  }
0xc2: {  	(tm) =	ssettm $0x7FFFFFFF  }
0xc3: {  	_ =	shalt  }
tec
execute0_lowered:
.L_overlay_start_1:
0x0: {  	(tag) =	ssettag $0x1  }
0x1: {  	s0 =	srdreg.scid  }
0x2: {  	s0 =	sand.u32 $0x1, s0  }
0x3: {  	s1 =	stileid.u32;
	[dreg:$0x1d] =	wrdreg s0;
	s0 =	sshll.u32 s0, $0x4  }
0x4: {  	s3 =	sor.u32 s1, s0  }
0x5: {  	s4 =	rddreg [dreg:$0x0];
	s2 =	simm.s32 $0x0;
	s0 =	smul.u32 $0xC800, s3  }
0x6: {  	[smem:$0x7FF] =	sst s2;
	s3 =	smul.u32 $0x19000, s3  }
0x7: {  	s7 =	rddreg [dreg:$0x1];
	s30 =	sadd.s32 $0x1000, s4;
	_ =	strace $0x80000047  }
0x8: {  	s5 =	sshrl.u32 s0, $0x3;
	s6 =	sadd.s32 $0x800, s0;
	s3 =	sadd.s32 s7, s3  }
0x9: {  	s17 =	sadd.s32 $0x1000, s0;
	s19 =	sadd.s32 $0x1800, s0;
	s25 =	sadd.s32 $0x2000, s0  }
0xa: {  	s1 =	sadd.s32 $0x2800, s0;
	s5 =	sadd.s32 s30, s5;
	s13 =	sshrl.u32 s6, $0x3  }
0xb: {  	[dreg:$0x4] =	wrdreg s3;
	s15 =	sshll.u32 s6, $0x1;
	s18 =	sshrl.u32 s17, $0x3  }
0xc: {  	s21 =	sshrl.u32 s19, $0x3;
	s23 =	sshll.u32 s19, $0x1;
	s26 =	sshrl.u32 s25, $0x3  }
0xd: {  	s9 =	sshrl.u32 s1, $0x3;
	[dreg:$0x3] =	wrdreg s5;
	s14 =	sadd.s32 s30, s13  }
0xe: {  	s11 =	sshll.u32 s1, $0x1;
	s16 =	sadd.s32 s7, s15;
	[dreg:$0x5] =	wrdreg s14  }
0xf: {  	s3 =	sadd.s32 s30, s18;
	s5 =	sshll.u32 s17, $0x1;
	[dreg:$0x6] =	wrdreg s16  }
0x10: {  	s22 =	sadd.s32 s30, s21;
	s24 =	sadd.s32 s7, s23;
	[dreg:$0x7] =	wrdreg s3  }
0x11: {  	s10 =	sadd.s32 s30, s9;
	s12 =	sadd.s32 s7, s11;
	[dreg:$0x9] =	wrdreg s22  }
0x12: {  	s13 =	sadd.s32 $0x3000, s0;
	s15 =	sadd.s32 $0x3800, s0;
	[dreg:$0xa] =	wrdreg s24  }
0x13: {  	s21 =	sadd.s32 $0x4000, s0;
	s23 =	sadd.s32 $0x4800, s0;
	[dreg:$0xd] =	wrdreg s10  }
0x14: {  	s20 =	sadd.s32 s7, s5;
	s3 =	sadd.s32 s30, s26;
	[dreg:$0xe] =	wrdreg s12  }
0x15: {  	s5 =	sshll.u32 s25, $0x1;
	s14 =	sshrl.u32 s13, $0x3;
	[dreg:$0x8] =	wrdreg s20  }
0x16: {  	s17 =	sshrl.u32 s15, $0x3;
	[dreg:$0xb] =	wrdreg s3;
	s8 =	sadd.s32 s7, s5  }
0x17: {  	s19 =	sshll.u32 s15, $0x1;
	s3 =	sadd.s32 s30, s14;
	[dreg:$0xc] =	wrdreg s8  }
0x18: {  	s22 =	sshrl.u32 s21, $0x3;
	s18 =	sadd.s32 s30, s17;
	[dreg:$0xf] =	wrdreg s3  }
0x19: {  	s25 =	sshrl.u32 s23, $0x3;
	s20 =	sadd.s32 s7, s19;
	[dreg:$0x11] =	wrdreg s18  }
0x1a: {  	s1 =	sshll.u32 s23, $0x1;
	s26 =	sadd.s32 s30, s25;
	[dreg:$0x12] =	wrdreg s20  }
0x1b: {  	s10 =	sadd.s32 $0x5800, s0;
	s6 =	sadd.s32 s7, s1;
	[dreg:$0x15] =	wrdreg s26  }
0x1c: {  	s5 =	sshll.u32 s13, $0x1;
	s12 =	sshrl.u32 s10, $0x3;
	[dreg:$0x16] =	wrdreg s6  }
0x1d: {  	s14 =	sshll.u32 s10, $0x1;
	s16 =	sadd.s32 s7, s5;
	s18 =	rddreg [dreg:$0x3]  }
0x1e: {  	s3 =	sadd.s32 s30, s22;
	s5 =	sshll.u32 s21, $0x1;
	[dreg:$0x10] =	wrdreg s16  }
0x1f: {  	s8 =	sadd.s32 $0x5000, s0;
	s13 =	sadd.s32 s30, s12;
	[dreg:$0x13] =	wrdreg s3  }
0x20: {  	s15 =	sadd.s32 s7, s14;
	s24 =	sadd.s32 s7, s5;
	[dreg:$0x19] =	wrdreg s13  }
0x21: {  	s9 =	sshrl.u32 s8, $0x3;
	s5 =	sshll.u32 s8, $0x1;
	[dreg:$0x1a] =	wrdreg s15  }
0x22: {  	[tilespmem:s2], [sflag:$0x2] =	stream.linear.gather [hbm4b:s18+s2], $0x800, $0x38;
	[tilespmem:$0x8800] =	vst v63  }
0x23: {  	s16 =	sadd.s32 $0x6000, s0;
	[dreg:$0x14] =	wrdreg s24;
	s3 =	sadd.s32 s30, s9  }
0x24: {  	s11 =	sadd.s32 s7, s5;
	s17 =	sshrl.u32 s16, $0x3;
	[dreg:$0x17] =	wrdreg s3  }
0x25: {  	s5 =	sshll.u32 s16, $0x1;
	[dreg:$0x18] =	wrdreg s11;
	s3 =	sadd.s32 s30, s17  }
0x26: {  	s19 =	sadd.s32 s7, s5;
	[dreg:$0x1b] =	wrdreg s3  }
0x27: {  	[dreg:$0x1c] =	wrdreg s19;
	s3 =	simm.s32 $0x2  }
0x28: {  	_ =	swait.ge [sflag:s3], $0x800  }
0x29: {  	s4 =	sadd.s32 $0xE00, s4;
	[sflag:s3] =	ssyncset.done $0x0  }
0x2a: {  	s6 =	simm.s32 $0x1;
	s5 =	simm.s32 $0x800;
	[sflag:s3] =	ssyncadd.s32 $0xFFFFF800  }
0x2b: {  	[tilespmem:s5], [sflag:$0x1] =	stream.indirect.gather [hbm4b:s4+s5], $0x10, s2, s5, $0xb8;
	[tilespmem:$0x8800] =	vst v63  }
0x2c: {  	_ =	swait.ge [sflag:s6], $0x8000  }
0x2d: {  	[sflag:s6] =	ssyncset.done $0x0  }
0x2e: {  	s20 =	rddreg [dreg:$0x4];
	[sflag:s6] =	ssyncadd.s32 $0xFFFF8000  }
0x2f: {  	[hbm4b:s20+s2] =	stream.linear.scatter [tilespmem:s5], [sflag:$0x2], $0x8000, $0x38;
	[tilespmem:$0x8800] =	vst v63  }
0x30: {  	_ =	swait.ge [sflag:s3], $0x8000  }
0x31: {  	[sflag:s3] =	ssyncset.done $0x0  }
0x32: {  	s21 =	rddreg [dreg:$0x5];
	[sflag:s3] =	ssyncadd.s32 $0xFFFF8000  }
0x33: {  	[tilespmem:s2], [sflag:$0x2] =	stream.linear.gather [hbm4b:s21+s2], $0x800, $0x38;
	[tilespmem:$0x8800] =	vst v63  }
0x34: {  	_ =	swait.ge [sflag:s3], $0x800  }
0x35: {  	[sflag:s3] =	ssyncset.done $0x0  }
0x36: {  	[sflag:s3] =	ssyncadd.s32 $0xFFFFF800  }
0x37: {  	[tilespmem:s5], [sflag:$0x1] =	stream.indirect.gather [hbm4b:s4+s5], $0x10, s2, s5, $0xb8;
	[tilespmem:$0x8800] =	vst v63  }
0x38: {  	_ =	swait.ge [sflag:s6], $0x8000  }
0x39: {  	[sflag:s6] =	ssyncset.done $0x0  }
0x3a: {  	s22 =	rddreg [dreg:$0x6];
	[sflag:s6] =	ssyncadd.s32 $0xFFFF8000  }
0x3b: {  	[hbm4b:s22+s2] =	stream.linear.scatter [tilespmem:s5], [sflag:$0x2], $0x8000, $0x38;
	[tilespmem:$0x8800] =	vst v63  }
0x3c: {  	_ =	swait.ge [sflag:s3], $0x8000  }
0x3d: {  	[sflag:s3] =	ssyncset.done $0x0  }
0x3e: {  	s23 =	rddreg [dreg:$0x7];
	[sflag:s3] =	ssyncadd.s32 $0xFFFF8000  }
0x3f: {  	[tilespmem:s2], [sflag:$0x2] =	stream.linear.gather [hbm4b:s23+s2], $0x800, $0x38;
	[tilespmem:$0x8800] =	vst v63  }
0x40: {  	_ =	swait.ge [sflag:s3], $0x800  }
0x41: {  	[sflag:s3] =	ssyncset.done $0x0  }
0x42: {  	[sflag:s3] =	ssyncadd.s32 $0xFFFFF800  }
0x43: {  	[tilespmem:s5], [sflag:$0x1] =	stream.indirect.gather [hbm4b:s4+s5], $0x10, s2, s5, $0xb8;
	[tilespmem:$0x8800] =	vst v63  }
0x44: {  	_ =	swait.ge [sflag:s6], $0x8000  }
0x45: {  	[sflag:s6] =	ssyncset.done $0x0  }
0x46: {  	s24 =	rddreg [dreg:$0x8];
	[sflag:s6] =	ssyncadd.s32 $0xFFFF8000  }
0x47: {  	[hbm4b:s24+s2] =	stream.linear.scatter [tilespmem:s5], [sflag:$0x2], $0x8000, $0x38;
	[tilespmem:$0x8800] =	vst v63  }
0x48: {  	_ =	swait.ge [sflag:s3], $0x8000  }
0x49: {  	[sflag:s3] =	ssyncset.done $0x0  }
0x4a: {  	s25 =	rddreg [dreg:$0x9];
	[sflag:s3] =	ssyncadd.s32 $0xFFFF8000  }
0x4b: {  	[tilespmem:s2], [sflag:$0x2] =	stream.linear.gather [hbm4b:s25+s2], $0x800, $0x38;
	[tilespmem:$0x8800] =	vst v63  }
0x4c: {  	_ =	swait.ge [sflag:s3], $0x800  }
0x4d: {  	[sflag:s3] =	ssyncset.done $0x0  }
0x4e: {  	[sflag:s3] =	ssyncadd.s32 $0xFFFFF800  }
0x4f: {  	[tilespmem:s5], [sflag:$0x1] =	stream.indirect.gather [hbm4b:s4+s5], $0x10, s2, s5, $0xb8;
	[tilespmem:$0x8800] =	vst v63  }
0x50: {  	_ =	swait.ge [sflag:s6], $0x8000  }
0x51: {  	[sflag:s6] =	ssyncset.done $0x0  }
0x52: {  	s26 =	rddreg [dreg:$0xa];
	[sflag:s6] =	ssyncadd.s32 $0xFFFF8000  }
0x53: {  	[hbm4b:s26+s2] =	stream.linear.scatter [tilespmem:s5], [sflag:$0x2], $0x8000, $0x38;
	[tilespmem:$0x8800] =	vst v63  }
0x54: {  	_ =	swait.ge [sflag:s3], $0x8000  }
0x55: {  	[sflag:s3] =	ssyncset.done $0x0  }
0x56: {  	s8 =	rddreg [dreg:$0xb];
	[sflag:s3] =	ssyncadd.s32 $0xFFFF8000  }
0x57: {  	[tilespmem:s2], [sflag:$0x2] =	stream.linear.gather [hbm4b:s8+s2], $0x800, $0x38;
	[tilespmem:$0x8800] =	vst v63  }
0x58: {  	_ =	swait.ge [sflag:s3], $0x800  }
0x59: {  	[sflag:s3] =	ssyncset.done $0x0  }
0x5a: {  	[sflag:s3] =	ssyncadd.s32 $0xFFFFF800  }
0x5b: {  	[tilespmem:s5], [sflag:$0x1] =	stream.indirect.gather [hbm4b:s4+s5], $0x10, s2, s5, $0xb8;
	[tilespmem:$0x8800] =	vst v63  }
0x5c: {  	_ =	swait.ge [sflag:s6], $0x8000  }
0x5d: {  	[sflag:s6] =	ssyncset.done $0x0  }
0x5e: {  	s9 =	rddreg [dreg:$0xc];
	[sflag:s6] =	ssyncadd.s32 $0xFFFF8000  }
0x5f: {  	[hbm4b:s9+s2] =	stream.linear.scatter [tilespmem:s5], [sflag:$0x2], $0x8000, $0x38;
	[tilespmem:$0x8800] =	vst v63  }
0x60: {  	_ =	swait.ge [sflag:s3], $0x8000  }
0x61: {  	[sflag:s3] =	ssyncset.done $0x0  }
0x62: {  	s10 =	rddreg [dreg:$0xd];
	[sflag:s3] =	ssyncadd.s32 $0xFFFF8000  }
0x63: {  	[tilespmem:s2], [sflag:$0x2] =	stream.linear.gather [hbm4b:s10+s2], $0x800, $0x38;
	[tilespmem:$0x8800] =	vst v63  }
0x64: {  	_ =	swait.ge [sflag:s3], $0x800  }
0x65: {  	[sflag:s3] =	ssyncset.done $0x0  }
0x66: {  	[sflag:s3] =	ssyncadd.s32 $0xFFFFF800  }
0x67: {  	[tilespmem:s5], [sflag:$0x1] =	stream.indirect.gather [hbm4b:s4+s5], $0x10, s2, s5, $0xb8;
	[tilespmem:$0x8800] =	vst v63  }
0x68: {  	_ =	swait.ge [sflag:s6], $0x8000  }
0x69: {  	[sflag:s6] =	ssyncset.done $0x0  }
0x6a: {  	s11 =	rddreg [dreg:$0xe];
	[sflag:s6] =	ssyncadd.s32 $0xFFFF8000  }
0x6b: {  	[hbm4b:s11+s2] =	stream.linear.scatter [tilespmem:s5], [sflag:$0x2], $0x8000, $0x38;
	[tilespmem:$0x8800] =	vst v63  }
0x6c: {  	_ =	swait.ge [sflag:s3], $0x8000  }
0x6d: {  	[sflag:s3] =	ssyncset.done $0x0  }
0x6e: {  	s12 =	rddreg [dreg:$0xf];
	[sflag:s3] =	ssyncadd.s32 $0xFFFF8000  }
0x6f: {  	[tilespmem:s2], [sflag:$0x2] =	stream.linear.gather [hbm4b:s12+s2], $0x800, $0x38;
	[tilespmem:$0x8800] =	vst v63  }
0x70: {  	_ =	swait.ge [sflag:s3], $0x800  }
0x71: {  	[sflag:s3] =	ssyncset.done $0x0  }
0x72: {  	[sflag:s3] =	ssyncadd.s32 $0xFFFFF800  }
0x73: {  	[tilespmem:s5], [sflag:$0x1] =	stream.indirect.gather [hbm4b:s4+s5], $0x10, s2, s5, $0xb8;
	[tilespmem:$0x8800] =	vst v63  }
0x74: {  	_ =	swait.ge [sflag:s6], $0x8000  }
0x75: {  	[sflag:s6] =	ssyncset.done $0x0  }
0x76: {  	s13 =	rddreg [dreg:$0x10];
	[sflag:s6] =	ssyncadd.s32 $0xFFFF8000  }
0x77: {  	[hbm4b:s13+s2] =	stream.linear.scatter [tilespmem:s5], [sflag:$0x2], $0x8000, $0x38;
	[tilespmem:$0x8800] =	vst v63  }
0x78: {  	_ =	swait.ge [sflag:s3], $0x8000  }
0x79: {  	[sflag:s3] =	ssyncset.done $0x0  }
0x7a: {  	s14 =	rddreg [dreg:$0x11];
	[sflag:s3] =	ssyncadd.s32 $0xFFFF8000  }
0x7b: {  	[tilespmem:s2], [sflag:$0x2] =	stream.linear.gather [hbm4b:s14+s2], $0x800, $0x38;
	[tilespmem:$0x8800] =	vst v63  }
0x7c: {  	_ =	swait.ge [sflag:s3], $0x800  }
0x7d: {  	[sflag:s3] =	ssyncset.done $0x0  }
0x7e: {  	[sflag:s3] =	ssyncadd.s32 $0xFFFFF800  }
0x7f: {  	[tilespmem:s5], [sflag:$0x1] =	stream.indirect.gather [hbm4b:s4+s5], $0x10, s2, s5, $0xb8;
	[tilespmem:$0x8800] =	vst v63  }
0x80: {  	_ =	swait.ge [sflag:s6], $0x8000  }
0x81: {  	[sflag:s6] =	ssyncset.done $0x0  }
0x82: {  	s15 =	rddreg [dreg:$0x12];
	[sflag:s6] =	ssyncadd.s32 $0xFFFF8000  }
0x83: {  	[hbm4b:s15+s2] =	stream.linear.scatter [tilespmem:s5], [sflag:$0x2], $0x8000, $0x38;
	[tilespmem:$0x8800] =	vst v63  }
0x84: {  	_ =	swait.ge [sflag:s3], $0x8000  }
0x85: {  	[sflag:s3] =	ssyncset.done $0x0  }
0x86: {  	s16 =	rddreg [dreg:$0x13];
	[sflag:s3] =	ssyncadd.s32 $0xFFFF8000  }
0x87: {  	[tilespmem:s2], [sflag:$0x2] =	stream.linear.gather [hbm4b:s16+s2], $0x800, $0x38;
	[tilespmem:$0x8800] =	vst v63  }
0x88: {  	_ =	swait.ge [sflag:s3], $0x800  }
0x89: {  	[sflag:s3] =	ssyncset.done $0x0  }
0x8a: {  	[sflag:s3] =	ssyncadd.s32 $0xFFFFF800  }
0x8b: {  	[tilespmem:s5], [sflag:$0x1] =	stream.indirect.gather [hbm4b:s4+s5], $0x10, s2, s5, $0xb8;
	[tilespmem:$0x8800] =	vst v63  }
0x8c: {  	_ =	swait.ge [sflag:s6], $0x8000  }
0x8d: {  	[sflag:s6] =	ssyncset.done $0x0  }
0x8e: {  	s17 =	rddreg [dreg:$0x14];
	[sflag:s6] =	ssyncadd.s32 $0xFFFF8000  }
0x8f: {  	[hbm4b:s17+s2] =	stream.linear.scatter [tilespmem:s5], [sflag:$0x2], $0x8000, $0x38;
	[tilespmem:$0x8800] =	vst v63  }
0x90: {  	_ =	swait.ge [sflag:s3], $0x8000  }
0x91: {  	[sflag:s3] =	ssyncset.done $0x0  }
0x92: {  	s18 =	rddreg [dreg:$0x15];
	[sflag:s3] =	ssyncadd.s32 $0xFFFF8000  }
0x93: {  	[tilespmem:s2], [sflag:$0x2] =	stream.linear.gather [hbm4b:s18+s2], $0x800, $0x38;
	[tilespmem:$0x8800] =	vst v63  }
0x94: {  	_ =	swait.ge [sflag:s3], $0x800  }
0x95: {  	[sflag:s3] =	ssyncset.done $0x0  }
0x96: {  	[sflag:s3] =	ssyncadd.s32 $0xFFFFF800  }
0x97: {  	[tilespmem:s5], [sflag:$0x1] =	stream.indirect.gather [hbm4b:s4+s5], $0x10, s2, s5, $0xb8;
	[tilespmem:$0x8800] =	vst v63  }
0x98: {  	_ =	swait.ge [sflag:s6], $0x8000  }
0x99: {  	[sflag:s6] =	ssyncset.done $0x0  }
0x9a: {  	s19 =	rddreg [dreg:$0x16];
	[sflag:s6] =	ssyncadd.s32 $0xFFFF8000  }
0x9b: {  	[hbm4b:s19+s2] =	stream.linear.scatter [tilespmem:s5], [sflag:$0x2], $0x8000, $0x38;
	[tilespmem:$0x8800] =	vst v63  }
0x9c: {  	_ =	swait.ge [sflag:s3], $0x8000  }
0x9d: {  	[sflag:s3] =	ssyncset.done $0x0  }
0x9e: {  	s20 =	rddreg [dreg:$0x17];
	[sflag:s3] =	ssyncadd.s32 $0xFFFF8000  }
0x9f: {  	[tilespmem:s2], [sflag:$0x2] =	stream.linear.gather [hbm4b:s20+s2], $0x800, $0x38;
	[tilespmem:$0x8800] =	vst v63  }
0xa0: {  	_ =	swait.ge [sflag:s3], $0x800  }
0xa1: {  	[sflag:s3] =	ssyncset.done $0x0  }
0xa2: {  	[sflag:s3] =	ssyncadd.s32 $0xFFFFF800  }
0xa3: {  	[tilespmem:s5], [sflag:$0x1] =	stream.indirect.gather [hbm4b:s4+s5], $0x10, s2, s5, $0xb8;
	[tilespmem:$0x8800] =	vst v63  }
0xa4: {  	_ =	swait.ge [sflag:s6], $0x8000  }
0xa5: {  	[sflag:s6] =	ssyncset.done $0x0  }
0xa6: {  	s21 =	rddreg [dreg:$0x18];
	[sflag:s6] =	ssyncadd.s32 $0xFFFF8000  }
0xa7: {  	[hbm4b:s21+s2] =	stream.linear.scatter [tilespmem:s5], [sflag:$0x2], $0x8000, $0x38;
	[tilespmem:$0x8800] =	vst v63  }
0xa8: {  	_ =	swait.ge [sflag:s3], $0x8000  }
0xa9: {  	[sflag:s3] =	ssyncset.done $0x0  }
0xaa: {  	s22 =	rddreg [dreg:$0x19];
	[sflag:s3] =	ssyncadd.s32 $0xFFFF8000  }
0xab: {  	[tilespmem:s2], [sflag:$0x2] =	stream.linear.gather [hbm4b:s22+s2], $0x800, $0x38;
	[tilespmem:$0x8800] =	vst v63  }
0xac: {  	_ =	swait.ge [sflag:s3], $0x800  }
0xad: {  	[sflag:s3] =	ssyncset.done $0x0  }
0xae: {  	[sflag:s3] =	ssyncadd.s32 $0xFFFFF800  }
0xaf: {  	[tilespmem:s5], [sflag:$0x1] =	stream.indirect.gather [hbm4b:s4+s5], $0x10, s2, s5, $0xb8;
	[tilespmem:$0x8800] =	vst v63  }
0xb0: {  	_ =	swait.ge [sflag:s6], $0x8000  }
0xb1: {  	[sflag:s6] =	ssyncset.done $0x0  }
0xb2: {  	s23 =	rddreg [dreg:$0x1a];
	[sflag:s6] =	ssyncadd.s32 $0xFFFF8000  }
0xb3: {  	[hbm4b:s23+s2] =	stream.linear.scatter [tilespmem:s5], [sflag:$0x2], $0x8000, $0x38;
	[tilespmem:$0x8800] =	vst v63  }
0xb4: {  	_ =	swait.ge [sflag:s3], $0x8000  }
0xb5: {  	[sflag:s3] =	ssyncset.done $0x0  }
0xb6: {  	s24 =	rddreg [dreg:$0x1b];
	[sflag:s3] =	ssyncadd.s32 $0xFFFF8000  }
0xb7: {  	[tilespmem:s2], [sflag:$0x2] =	stream.linear.gather [hbm4b:s24+s2], $0x800, $0x38;
	[tilespmem:$0x8800] =	vst v63  }
0xb8: {  	_ =	swait.ge [sflag:s3], $0x800  }
0xb9: {  	[sflag:s3] =	ssyncset.done $0x0  }
0xba: {  	[sflag:s3] =	ssyncadd.s32 $0xFFFFF800  }
0xbb: {  	[tilespmem:s5], [sflag:$0x1] =	stream.indirect.gather [hbm4b:s4+s5], $0x10, s2, s5, $0xb8;
	[tilespmem:$0x8800] =	vst v63  }
0xbc: {  	_ =	swait.ge [sflag:s6], $0x8000  }
0xbd: {  	[sflag:s6] =	ssyncset.done $0x0  }
0xbe: {  	s25 =	rddreg [dreg:$0x1c];
	[sflag:s6] =	ssyncadd.s32 $0xFFFF8000  }
0xbf: {  	[hbm4b:s25+s2] =	stream.linear.scatter [tilespmem:s5], [sflag:$0x2], $0x8000, $0x38;
	[tilespmem:$0x8800] =	vst v63  }
0xc0: {  	s8 =	sadd.s32 $0x6800, s0;
	_ =	swait.ge [sflag:s3], $0x8000  }
0xc1: {  	s26 =	sshrl.u32 s8, $0x3;
	[sflag:s3] =	ssyncset.done $0x0  }
0xc2: {  	s1 =	smov.u32 s7;
	s7 =	sadd.s32 s30, s26;
	[sflag:s3] =	ssyncadd.s32 $0xFFFF8000  }
0xc3: {  	[tilespmem:s2], [sflag:$0x2] =	stream.linear.gather [hbm4b:s7+s2], $0x800, $0x38;
	[tilespmem:$0x8800] =	vst v63  }
0xc4: {  	_ =	swait.ge [sflag:s3], $0x800  }
0xc5: {  	[sflag:s3] =	ssyncset.done $0x0  }
0xc6: {  	[sflag:s3] =	ssyncadd.s32 $0xFFFFF800  }
0xc7: {  	[tilespmem:s5], [sflag:$0x1] =	stream.indirect.gather [hbm4b:s4+s5], $0x10, s2, s5, $0xb8;
	[tilespmem:$0x8800] =	vst v63  }
0xc8: {  	_ =	swait.ge [sflag:s6], $0x8000  }
0xc9: {  	s8 =	sshll.u32 s8, $0x1;
	[sflag:s6] =	ssyncset.done $0x0  }
0xca: {  	s8 =	sadd.s32 s1, s8;
	[sflag:s6] =	ssyncadd.s32 $0xFFFF8000  }
0xcb: {  	[hbm4b:s8+s2] =	stream.linear.scatter [tilespmem:s5], [sflag:$0x2], $0x8000, $0x38;
	[tilespmem:$0x8800] =	vst v63  }
0xcc: {  	s10 =	sadd.s32 $0x7000, s0;
	_ =	swait.ge [sflag:s3], $0x8000  }
0xcd: {  	s9 =	sshrl.u32 s10, $0x3;
	[sflag:s3] =	ssyncset.done $0x0  }
0xce: {  	s9 =	sadd.s32 s30, s9;
	[sflag:s3] =	ssyncadd.s32 $0xFFFF8000  }
0xcf: {  	[tilespmem:s2], [sflag:$0x2] =	stream.linear.gather [hbm4b:s9+s2], $0x800, $0x38;
	[tilespmem:$0x8800] =	vst v63  }
0xd0: {  	_ =	swait.ge [sflag:s3], $0x800  }
0xd1: {  	[sflag:s3] =	ssyncset.done $0x0  }
0xd2: {  	[sflag:s3] =	ssyncadd.s32 $0xFFFFF800  }
0xd3: {  	[tilespmem:s5], [sflag:$0x1] =	stream.indirect.gather [hbm4b:s4+s5], $0x10, s2, s5, $0xb8;
	[tilespmem:$0x8800] =	vst v63  }
0xd4: {  	_ =	swait.ge [sflag:s6], $0x8000  }
0xd5: {  	s10 =	sshll.u32 s10, $0x1;
	[sflag:s6] =	ssyncset.done $0x0  }
0xd6: {  	s10 =	sadd.s32 s1, s10;
	[sflag:s6] =	ssyncadd.s32 $0xFFFF8000  }
0xd7: {  	[hbm4b:s10+s2] =	stream.linear.scatter [tilespmem:s5], [sflag:$0x2], $0x8000, $0x38;
	[tilespmem:$0x8800] =	vst v63  }
0xd8: {  	s12 =	sadd.s32 $0x7800, s0;
	_ =	swait.ge [sflag:s3], $0x8000  }
0xd9: {  	s11 =	sshrl.u32 s12, $0x3;
	[sflag:s3] =	ssyncset.done $0x0  }
0xda: {  	s11 =	sadd.s32 s30, s11;
	[sflag:s3] =	ssyncadd.s32 $0xFFFF8000  }
0xdb: {  	[tilespmem:s2], [sflag:$0x2] =	stream.linear.gather [hbm4b:s11+s2], $0x800, $0x38;
	[tilespmem:$0x8800] =	vst v63  }
0xdc: {  	_ =	swait.ge [sflag:s3], $0x800  }
0xdd: {  	[sflag:s3] =	ssyncset.done $0x0  }
0xde: {  	[sflag:s3] =	ssyncadd.s32 $0xFFFFF800  }
0xdf: {  	[tilespmem:s5], [sflag:$0x1] =	stream.indirect.gather [hbm4b:s4+s5], $0x10, s2, s5, $0xb8;
	[tilespmem:$0x8800] =	vst v63  }
0xe0: {  	_ =	swait.ge [sflag:s6], $0x8000  }
0xe1: {  	s12 =	sshll.u32 s12, $0x1;
	[sflag:s6] =	ssyncset.done $0x0  }
0xe2: {  	s12 =	sadd.s32 s1, s12;
	[sflag:s6] =	ssyncadd.s32 $0xFFFF8000  }
0xe3: {  	[hbm4b:s12+s2] =	stream.linear.scatter [tilespmem:s5], [sflag:$0x2], $0x8000, $0x38;
	[tilespmem:$0x8800] =	vst v63  }
0xe4: {  	s14 =	sadd.s32 $0x8000, s0;
	_ =	swait.ge [sflag:s3], $0x8000  }
0xe5: {  	s13 =	sshrl.u32 s14, $0x3;
	[sflag:s3] =	ssyncset.done $0x0  }
0xe6: {  	s13 =	sadd.s32 s30, s13;
	[sflag:s3] =	ssyncadd.s32 $0xFFFF8000  }
0xe7: {  	[tilespmem:s2], [sflag:$0x2] =	stream.linear.gather [hbm4b:s13+s2], $0x800, $0x38;
	[tilespmem:$0x8800] =	vst v63  }
0xe8: {  	_ =	swait.ge [sflag:s3], $0x800  }
0xe9: {  	[sflag:s3] =	ssyncset.done $0x0  }
0xea: {  	[sflag:s3] =	ssyncadd.s32 $0xFFFFF800  }
0xeb: {  	[tilespmem:s5], [sflag:$0x1] =	stream.indirect.gather [hbm4b:s4+s5], $0x10, s2, s5, $0xb8;
	[tilespmem:$0x8800] =	vst v63  }
0xec: {  	_ =	swait.ge [sflag:s6], $0x8000  }
0xed: {  	s14 =	sshll.u32 s14, $0x1;
	[sflag:s6] =	ssyncset.done $0x0  }
0xee: {  	s14 =	sadd.s32 s1, s14;
	[sflag:s6] =	ssyncadd.s32 $0xFFFF8000  }
0xef: {  	[hbm4b:s14+s2] =	stream.linear.scatter [tilespmem:s5], [sflag:$0x2], $0x8000, $0x38;
	[tilespmem:$0x8800] =	vst v63  }
0xf0: {  	s16 =	sadd.s32 $0x8800, s0;
	_ =	swait.ge [sflag:s3], $0x8000  }
0xf1: {  	s15 =	sshrl.u32 s16, $0x3;
	[sflag:s3] =	ssyncset.done $0x0  }
0xf2: {  	s15 =	sadd.s32 s30, s15;
	[sflag:s3] =	ssyncadd.s32 $0xFFFF8000  }
0xf3: {  	[tilespmem:s2], [sflag:$0x2] =	stream.linear.gather [hbm4b:s15+s2], $0x800, $0x38;
	[tilespmem:$0x8800] =	vst v63  }
0xf4: {  	_ =	swait.ge [sflag:s3], $0x800  }
0xf5: {  	[sflag:s3] =	ssyncset.done $0x0  }
0xf6: {  	[sflag:s3] =	ssyncadd.s32 $0xFFFFF800  }
0xf7: {  	[tilespmem:s5], [sflag:$0x1] =	stream.indirect.gather [hbm4b:s4+s5], $0x10, s2, s5, $0xb8;
	[tilespmem:$0x8800] =	vst v63  }
0xf8: {  	_ =	swait.ge [sflag:s6], $0x8000  }
0xf9: {  	s16 =	sshll.u32 s16, $0x1;
	[sflag:s6] =	ssyncset.done $0x0  }
0xfa: {  	s16 =	sadd.s32 s1, s16;
	[sflag:s6] =	ssyncadd.s32 $0xFFFF8000  }
0xfb: {  	[hbm4b:s16+s2] =	stream.linear.scatter [tilespmem:s5], [sflag:$0x2], $0x8000, $0x38;
	[tilespmem:$0x8800] =	vst v63  }
0xfc: {  	s18 =	sadd.s32 $0x9000, s0;
	_ =	swait.ge [sflag:s3], $0x8000  }
0xfd: {  	s17 =	sshrl.u32 s18, $0x3;
	[sflag:s3] =	ssyncset.done $0x0  }
0xfe: {  	s17 =	sadd.s32 s30, s17;
	[sflag:s3] =	ssyncadd.s32 $0xFFFF8000  }
0xff: {  	[tilespmem:s2], [sflag:$0x2] =	stream.linear.gather [hbm4b:s17+s2], $0x800, $0x38;
	[tilespmem:$0x8800] =	vst v63  }
0x100: {  	_ =	swait.ge [sflag:s3], $0x800  }
0x101: {  	[sflag:s3] =	ssyncset.done $0x0  }
0x102: {  	[sflag:s3] =	ssyncadd.s32 $0xFFFFF800  }
0x103: {  	[tilespmem:s5], [sflag:$0x1] =	stream.indirect.gather [hbm4b:s4+s5], $0x10, s2, s5, $0xb8;
	[tilespmem:$0x8800] =	vst v63  }
0x104: {  	_ =	swait.ge [sflag:s6], $0x8000  }
0x105: {  	s18 =	sshll.u32 s18, $0x1;
	[sflag:s6] =	ssyncset.done $0x0  }
0x106: {  	s18 =	sadd.s32 s1, s18;
	[sflag:s6] =	ssyncadd.s32 $0xFFFF8000  }
0x107: {  	[hbm4b:s18+s2] =	stream.linear.scatter [tilespmem:s5], [sflag:$0x2], $0x8000, $0x38;
	[tilespmem:$0x8800] =	vst v63  }
0x108: {  	s20 =	sadd.s32 $0x9800, s0;
	_ =	swait.ge [sflag:s3], $0x8000  }
0x109: {  	s19 =	sshrl.u32 s20, $0x3;
	[sflag:s3] =	ssyncset.done $0x0  }
0x10a: {  	s19 =	sadd.s32 s30, s19;
	[sflag:s3] =	ssyncadd.s32 $0xFFFF8000  }
0x10b: {  	[tilespmem:s2], [sflag:$0x2] =	stream.linear.gather [hbm4b:s19+s2], $0x800, $0x38;
	[tilespmem:$0x8800] =	vst v63  }
0x10c: {  	_ =	swait.ge [sflag:s3], $0x800  }
0x10d: {  	[sflag:s3] =	ssyncset.done $0x0  }
0x10e: {  	[sflag:s3] =	ssyncadd.s32 $0xFFFFF800  }
0x10f: {  	[tilespmem:s5], [sflag:$0x1] =	stream.indirect.gather [hbm4b:s4+s5], $0x10, s2, s5, $0xb8;
	[tilespmem:$0x8800] =	vst v63  }
0x110: {  	_ =	swait.ge [sflag:s6], $0x8000  }
0x111: {  	s20 =	sshll.u32 s20, $0x1;
	[sflag:s6] =	ssyncset.done $0x0  }
0x112: {  	s20 =	sadd.s32 s1, s20;
	[sflag:s6] =	ssyncadd.s32 $0xFFFF8000  }
0x113: {  	[hbm4b:s20+s2] =	stream.linear.scatter [tilespmem:s5], [sflag:$0x2], $0x8000, $0x38;
	[tilespmem:$0x8800] =	vst v63  }
0x114: {  	s22 =	sadd.s32 $0xA000, s0;
	_ =	swait.ge [sflag:s3], $0x8000  }
0x115: {  	s21 =	sshrl.u32 s22, $0x3;
	[sflag:s3] =	ssyncset.done $0x0  }
0x116: {  	s21 =	sadd.s32 s30, s21;
	[sflag:s3] =	ssyncadd.s32 $0xFFFF8000  }
0x117: {  	[tilespmem:s2], [sflag:$0x2] =	stream.linear.gather [hbm4b:s21+s2], $0x800, $0x38;
	[tilespmem:$0x8800] =	vst v63  }
0x118: {  	_ =	swait.ge [sflag:s3], $0x800  }
0x119: {  	[sflag:s3] =	ssyncset.done $0x0  }
0x11a: {  	[sflag:s3] =	ssyncadd.s32 $0xFFFFF800  }
0x11b: {  	[tilespmem:s5], [sflag:$0x1] =	stream.indirect.gather [hbm4b:s4+s5], $0x10, s2, s5, $0xb8;
	[tilespmem:$0x8800] =	vst v63  }
0x11c: {  	_ =	swait.ge [sflag:s6], $0x8000  }
0x11d: {  	s22 =	sshll.u32 s22, $0x1;
	[sflag:s6] =	ssyncset.done $0x0  }
0x11e: {  	s22 =	sadd.s32 s1, s22;
	[sflag:s6] =	ssyncadd.s32 $0xFFFF8000  }
0x11f: {  	[hbm4b:s22+s2] =	stream.linear.scatter [tilespmem:s5], [sflag:$0x2], $0x8000, $0x38;
	[tilespmem:$0x8800] =	vst v63  }
0x120: {  	s24 =	sadd.s32 $0xA800, s0;
	_ =	swait.ge [sflag:s3], $0x8000  }
0x121: {  	s23 =	sshrl.u32 s24, $0x3;
	[sflag:s3] =	ssyncset.done $0x0  }
0x122: {  	s23 =	sadd.s32 s30, s23;
	[sflag:s3] =	ssyncadd.s32 $0xFFFF8000  }
0x123: {  	[tilespmem:s2], [sflag:$0x2] =	stream.linear.gather [hbm4b:s23+s2], $0x800, $0x38;
	[tilespmem:$0x8800] =	vst v63  }
0x124: {  	_ =	swait.ge [sflag:s3], $0x800  }
0x125: {  	[sflag:s3] =	ssyncset.done $0x0  }
0x126: {  	[sflag:s3] =	ssyncadd.s32 $0xFFFFF800  }
0x127: {  	[tilespmem:s5], [sflag:$0x1] =	stream.indirect.gather [hbm4b:s4+s5], $0x10, s2, s5, $0xb8;
	[tilespmem:$0x8800] =	vst v63  }
0x128: {  	_ =	swait.ge [sflag:s6], $0x8000  }
0x129: {  	s24 =	sshll.u32 s24, $0x1;
	[sflag:s6] =	ssyncset.done $0x0  }
0x12a: {  	s24 =	sadd.s32 s1, s24;
	[sflag:s6] =	ssyncadd.s32 $0xFFFF8000  }
0x12b: {  	[hbm4b:s24+s2] =	stream.linear.scatter [tilespmem:s5], [sflag:$0x2], $0x8000, $0x38;
	[tilespmem:$0x8800] =	vst v63  }
0x12c: {  	s26 =	sadd.s32 $0xB000, s0;
	_ =	swait.ge [sflag:s3], $0x8000  }
0x12d: {  	s25 =	sshrl.u32 s26, $0x3;
	[sflag:s3] =	ssyncset.done $0x0  }
0x12e: {  	s25 =	sadd.s32 s30, s25;
	[sflag:s3] =	ssyncadd.s32 $0xFFFF8000  }
0x12f: {  	[tilespmem:s2], [sflag:$0x2] =	stream.linear.gather [hbm4b:s25+s2], $0x800, $0x38;
	[tilespmem:$0x8800] =	vst v63  }
0x130: {  	_ =	swait.ge [sflag:s3], $0x800  }
0x131: {  	[sflag:s3] =	ssyncset.done $0x0  }
0x132: {  	[sflag:s3] =	ssyncadd.s32 $0xFFFFF800  }
0x133: {  	[tilespmem:s5], [sflag:$0x1] =	stream.indirect.gather [hbm4b:s4+s5], $0x10, s2, s5, $0xb8;
	[tilespmem:$0x8800] =	vst v63  }
0x134: {  	_ =	swait.ge [sflag:s6], $0x8000  }
0x135: {  	s26 =	sshll.u32 s26, $0x1;
	[sflag:s6] =	ssyncset.done $0x0  }
0x136: {  	s26 =	sadd.s32 s1, s26;
	[sflag:s6] =	ssyncadd.s32 $0xFFFF8000  }
0x137: {  	[hbm4b:s26+s2] =	stream.linear.scatter [tilespmem:s5], [sflag:$0x2], $0x8000, $0x38;
	[tilespmem:$0x8800] =	vst v63  }
0x138: {  	s29 =	sadd.s32 $0xB800, s0;
	_ =	swait.ge [sflag:s3], $0x8000  }
0x139: {  	s28 =	sshrl.u32 s29, $0x3;
	[sflag:s3] =	ssyncset.done $0x0  }
0x13a: {  	s28 =	sadd.s32 s30, s28;
	[sflag:s3] =	ssyncadd.s32 $0xFFFF8000  }
0x13b: {  	[tilespmem:s2], [sflag:$0x2] =	stream.linear.gather [hbm4b:s28+s2], $0x800, $0x38;
	[tilespmem:$0x8800] =	vst v63  }
0x13c: {  	_ =	swait.ge [sflag:s3], $0x800  }
0x13d: {  	[sflag:s3] =	ssyncset.done $0x0  }
0x13e: {  	[sflag:s3] =	ssyncadd.s32 $0xFFFFF800  }
0x13f: {  	[tilespmem:s5], [sflag:$0x1] =	stream.indirect.gather [hbm4b:s4+s5], $0x10, s2, s5, $0xb8;
	[tilespmem:$0x8800] =	vst v63  }
0x140: {  	_ =	swait.ge [sflag:s6], $0x8000  }
0x141: {  	s29 =	sshll.u32 s29, $0x1;
	[sflag:s6] =	ssyncset.done $0x0  }
0x142: {  	s29 =	sadd.s32 s1, s29;
	[sflag:s6] =	ssyncadd.s32 $0xFFFF8000  }
0x143: {  	[hbm4b:s29+s2] =	stream.linear.scatter [tilespmem:s5], [sflag:$0x2], $0x8000, $0x38;
	[tilespmem:$0x8800] =	vst v63  }
0x144: {  	s0 =	sadd.s32 $0xC000, s0;
	_ =	swait.ge [sflag:s3], $0x8000  }
0x145: {  	s31 =	sshrl.u32 s0, $0x3;
	[sflag:s3] =	ssyncset.done $0x0  }
0x146: {  	s30 =	sadd.s32 s30, s31;
	[sflag:s3] =	ssyncadd.s32 $0xFFFF8000  }
0x147: {  	[tilespmem:s2], [sflag:$0x2] =	stream.linear.gather [hbm4b:s30+s2], $0x800, $0x38;
	[tilespmem:$0x8800] =	vst v63  }
0x148: {  	_ =	swait.ge [sflag:s3], $0x800  }
0x149: {  	[sflag:s3] =	ssyncset.done $0x0;
	s1 =	rddreg [dreg:$0x1d]  }
0x14a: {  	s31 =	ssub.s32 $0x2, s1;
	[sflag:s3] =	ssyncadd.s32 $0xFFFFF800  }
0x14b: {  	[tilespmem:s5], [sflag:$0x1] =	stream.indirect.gather [hbm4b:s4+s5], $0x10, s2, s5, $0xb8;
	[tilespmem:$0x8800] =	vst v63  }
0x14c: {  	s1 =	sshrl.u32 s31, $0x1  }
0x14d: {  	s1 =	ssub.s32 s31, s1  }
0x14e: {  	s1 =	smax.u32 s1, $0x1  }
0x14f: {  	_ =	swait.ge [sflag:s6], $0x8000;
	p0 =	sne.s32 s1, $0x1  }
.Ltmp0:
0x150: {  	[sflag:s6] =	ssyncset.done $0x0;
	(pc) =	sbr.rel @!p0 .LBB2_2-.Ltmp0, $4  }
0x151: {  	s0 =	sshll.u32 s0, $0x1;
	s31 =	rddreg [dreg:$0x1]  }
0x152: {  	[sflag:s6] =	ssyncadd.s32 $0xFFFF8000;
	s31 =	sadd.s32 s31, s0  }
0x153: {  	[hbm4b:s31+s2] =	stream.linear.scatter [tilespmem:s5], [sflag:$0x2], $0x8000, $0x38;
	[tilespmem:$0x8800] =	vst v63  }
0x154: {  	s1 =	sadd.s32 $0xFFFFFFFF, s1;
	_ =	swait.ge [sflag:s3], $0x8000  }
.LBB2_1:
0x155: {  	[sflag:s3] =	ssyncset.done $0x0  }
0x156: {  	s0 =	rddreg [dreg:$0x3];
	[sflag:s3] =	ssyncadd.s32 $0xFFFF8000  }
0x157: {  	[tilespmem:s2], [sflag:$0x2] =	stream.linear.gather [hbm4b:s0+s2], $0x800, $0x38;
	[tilespmem:$0x8800] =	vst v63  }
0x158: {  	_ =	swait.ge [sflag:s3], $0x800  }
0x159: {  	[sflag:s3] =	ssyncset.done $0x0  }
0x15a: {  	[sflag:s3] =	ssyncadd.s32 $0xFFFFF800  }
0x15b: {  	[tilespmem:s5], [sflag:$0x1] =	stream.indirect.gather [hbm4b:s4+s5], $0x10, s2, s5, $0xb8;
	[tilespmem:$0x8800] =	vst v63  }
0x15c: {  	_ =	swait.ge [sflag:s6], $0x8000  }
0x15d: {  	[sflag:s6] =	ssyncset.done $0x0  }
0x15e: {  	s0 =	rddreg [dreg:$0x4];
	[sflag:s6] =	ssyncadd.s32 $0xFFFF8000  }
0x15f: {  	[hbm4b:s0+s2] =	stream.linear.scatter [tilespmem:s5], [sflag:$0x2], $0x8000, $0x38;
	[tilespmem:$0x8800] =	vst v63  }
0x160: {  	_ =	swait.ge [sflag:s3], $0x8000  }
0x161: {  	[sflag:s3] =	ssyncset.done $0x0  }
0x162: {  	s0 =	rddreg [dreg:$0x5];
	[sflag:s3] =	ssyncadd.s32 $0xFFFF8000  }
0x163: {  	[tilespmem:s2], [sflag:$0x2] =	stream.linear.gather [hbm4b:s0+s2], $0x800, $0x38;
	[tilespmem:$0x8800] =	vst v63  }
0x164: {  	_ =	swait.ge [sflag:s3], $0x800  }
0x165: {  	[sflag:s3] =	ssyncset.done $0x0  }
0x166: {  	[sflag:s3] =	ssyncadd.s32 $0xFFFFF800  }
0x167: {  	[tilespmem:s5], [sflag:$0x1] =	stream.indirect.gather [hbm4b:s4+s5], $0x10, s2, s5, $0xb8;
	[tilespmem:$0x8800] =	vst v63  }
0x168: {  	_ =	swait.ge [sflag:s6], $0x8000  }
0x169: {  	[sflag:s6] =	ssyncset.done $0x0  }
0x16a: {  	s0 =	rddreg [dreg:$0x6];
	[sflag:s6] =	ssyncadd.s32 $0xFFFF8000  }
0x16b: {  	[hbm4b:s0+s2] =	stream.linear.scatter [tilespmem:s5], [sflag:$0x2], $0x8000, $0x38;
	[tilespmem:$0x8800] =	vst v63  }
0x16c: {  	_ =	swait.ge [sflag:s3], $0x8000  }
0x16d: {  	[sflag:s3] =	ssyncset.done $0x0  }
0x16e: {  	s0 =	rddreg [dreg:$0x7];
	[sflag:s3] =	ssyncadd.s32 $0xFFFF8000  }
0x16f: {  	[tilespmem:s2], [sflag:$0x2] =	stream.linear.gather [hbm4b:s0+s2], $0x800, $0x38;
	[tilespmem:$0x8800] =	vst v63  }
0x170: {  	_ =	swait.ge [sflag:s3], $0x800  }
0x171: {  	[sflag:s3] =	ssyncset.done $0x0  }
0x172: {  	[sflag:s3] =	ssyncadd.s32 $0xFFFFF800  }
0x173: {  	[tilespmem:s5], [sflag:$0x1] =	stream.indirect.gather [hbm4b:s4+s5], $0x10, s2, s5, $0xb8;
	[tilespmem:$0x8800] =	vst v63  }
0x174: {  	_ =	swait.ge [sflag:s6], $0x8000  }
0x175: {  	[sflag:s6] =	ssyncset.done $0x0  }
0x176: {  	s0 =	rddreg [dreg:$0x8];
	[sflag:s6] =	ssyncadd.s32 $0xFFFF8000  }
0x177: {  	[hbm4b:s0+s2] =	stream.linear.scatter [tilespmem:s5], [sflag:$0x2], $0x8000, $0x38;
	[tilespmem:$0x8800] =	vst v63  }
0x178: {  	_ =	swait.ge [sflag:s3], $0x8000  }
0x179: {  	[sflag:s3] =	ssyncset.done $0x0  }
0x17a: {  	s0 =	rddreg [dreg:$0x9];
	[sflag:s3] =	ssyncadd.s32 $0xFFFF8000  }
0x17b: {  	[tilespmem:s2], [sflag:$0x2] =	stream.linear.gather [hbm4b:s0+s2], $0x800, $0x38;
	[tilespmem:$0x8800] =	vst v63  }
0x17c: {  	_ =	swait.ge [sflag:s3], $0x800  }
0x17d: {  	[sflag:s3] =	ssyncset.done $0x0  }
0x17e: {  	[sflag:s3] =	ssyncadd.s32 $0xFFFFF800  }
0x17f: {  	[tilespmem:s5], [sflag:$0x1] =	stream.indirect.gather [hbm4b:s4+s5], $0x10, s2, s5, $0xb8;
	[tilespmem:$0x8800] =	vst v63  }
0x180: {  	_ =	swait.ge [sflag:s6], $0x8000  }
0x181: {  	[sflag:s6] =	ssyncset.done $0x0  }
0x182: {  	s0 =	rddreg [dreg:$0xa];
	[sflag:s6] =	ssyncadd.s32 $0xFFFF8000  }
0x183: {  	[hbm4b:s0+s2] =	stream.linear.scatter [tilespmem:s5], [sflag:$0x2], $0x8000, $0x38;
	[tilespmem:$0x8800] =	vst v63  }
0x184: {  	_ =	swait.ge [sflag:s3], $0x8000  }
0x185: {  	[sflag:s3] =	ssyncset.done $0x0  }
0x186: {  	s0 =	rddreg [dreg:$0xb];
	[sflag:s3] =	ssyncadd.s32 $0xFFFF8000  }
0x187: {  	[tilespmem:s2], [sflag:$0x2] =	stream.linear.gather [hbm4b:s0+s2], $0x800, $0x38;
	[tilespmem:$0x8800] =	vst v63  }
0x188: {  	_ =	swait.ge [sflag:s3], $0x800  }
0x189: {  	[sflag:s3] =	ssyncset.done $0x0  }
0x18a: {  	[sflag:s3] =	ssyncadd.s32 $0xFFFFF800  }
0x18b: {  	[tilespmem:s5], [sflag:$0x1] =	stream.indirect.gather [hbm4b:s4+s5], $0x10, s2, s5, $0xb8;
	[tilespmem:$0x8800] =	vst v63  }
0x18c: {  	_ =	swait.ge [sflag:s6], $0x8000  }
0x18d: {  	[sflag:s6] =	ssyncset.done $0x0  }
0x18e: {  	s0 =	rddreg [dreg:$0xc];
	[sflag:s6] =	ssyncadd.s32 $0xFFFF8000  }
0x18f: {  	[hbm4b:s0+s2] =	stream.linear.scatter [tilespmem:s5], [sflag:$0x2], $0x8000, $0x38;
	[tilespmem:$0x8800] =	vst v63  }
0x190: {  	_ =	swait.ge [sflag:s3], $0x8000  }
0x191: {  	[sflag:s3] =	ssyncset.done $0x0  }
0x192: {  	s0 =	rddreg [dreg:$0xd];
	[sflag:s3] =	ssyncadd.s32 $0xFFFF8000  }
0x193: {  	[tilespmem:s2], [sflag:$0x2] =	stream.linear.gather [hbm4b:s0+s2], $0x800, $0x38;
	[tilespmem:$0x8800] =	vst v63  }
0x194: {  	_ =	swait.ge [sflag:s3], $0x800  }
0x195: {  	[sflag:s3] =	ssyncset.done $0x0  }
0x196: {  	[sflag:s3] =	ssyncadd.s32 $0xFFFFF800  }
0x197: {  	[tilespmem:s5], [sflag:$0x1] =	stream.indirect.gather [hbm4b:s4+s5], $0x10, s2, s5, $0xb8;
	[tilespmem:$0x8800] =	vst v63  }
0x198: {  	_ =	swait.ge [sflag:s6], $0x8000  }
0x199: {  	[sflag:s6] =	ssyncset.done $0x0  }
0x19a: {  	s0 =	rddreg [dreg:$0xe];
	[sflag:s6] =	ssyncadd.s32 $0xFFFF8000  }
0x19b: {  	[hbm4b:s0+s2] =	stream.linear.scatter [tilespmem:s5], [sflag:$0x2], $0x8000, $0x38;
	[tilespmem:$0x8800] =	vst v63  }
0x19c: {  	_ =	swait.ge [sflag:s3], $0x8000  }
0x19d: {  	[sflag:s3] =	ssyncset.done $0x0  }
0x19e: {  	s0 =	rddreg [dreg:$0xf];
	[sflag:s3] =	ssyncadd.s32 $0xFFFF8000  }
0x19f: {  	[tilespmem:s2], [sflag:$0x2] =	stream.linear.gather [hbm4b:s0+s2], $0x800, $0x38;
	[tilespmem:$0x8800] =	vst v63  }
0x1a0: {  	_ =	swait.ge [sflag:s3], $0x800  }
0x1a1: {  	[sflag:s3] =	ssyncset.done $0x0  }
0x1a2: {  	[sflag:s3] =	ssyncadd.s32 $0xFFFFF800  }
0x1a3: {  	[tilespmem:s5], [sflag:$0x1] =	stream.indirect.gather [hbm4b:s4+s5], $0x10, s2, s5, $0xb8;
	[tilespmem:$0x8800] =	vst v63  }
0x1a4: {  	_ =	swait.ge [sflag:s6], $0x8000  }
0x1a5: {  	[sflag:s6] =	ssyncset.done $0x0  }
0x1a6: {  	s0 =	rddreg [dreg:$0x10];
	[sflag:s6] =	ssyncadd.s32 $0xFFFF8000  }
0x1a7: {  	[hbm4b:s0+s2] =	stream.linear.scatter [tilespmem:s5], [sflag:$0x2], $0x8000, $0x38;
	[tilespmem:$0x8800] =	vst v63  }
0x1a8: {  	_ =	swait.ge [sflag:s3], $0x8000  }
0x1a9: {  	[sflag:s3] =	ssyncset.done $0x0  }
0x1aa: {  	s0 =	rddreg [dreg:$0x11];
	[sflag:s3] =	ssyncadd.s32 $0xFFFF8000  }
0x1ab: {  	[tilespmem:s2], [sflag:$0x2] =	stream.linear.gather [hbm4b:s0+s2], $0x800, $0x38;
	[tilespmem:$0x8800] =	vst v63  }
0x1ac: {  	_ =	swait.ge [sflag:s3], $0x800  }
0x1ad: {  	[sflag:s3] =	ssyncset.done $0x0  }
0x1ae: {  	[sflag:s3] =	ssyncadd.s32 $0xFFFFF800  }
0x1af: {  	[tilespmem:s5], [sflag:$0x1] =	stream.indirect.gather [hbm4b:s4+s5], $0x10, s2, s5, $0xb8;
	[tilespmem:$0x8800] =	vst v63  }
0x1b0: {  	_ =	swait.ge [sflag:s6], $0x8000  }
0x1b1: {  	[sflag:s6] =	ssyncset.done $0x0  }
0x1b2: {  	s0 =	rddreg [dreg:$0x12];
	[sflag:s6] =	ssyncadd.s32 $0xFFFF8000  }
0x1b3: {  	[hbm4b:s0+s2] =	stream.linear.scatter [tilespmem:s5], [sflag:$0x2], $0x8000, $0x38;
	[tilespmem:$0x8800] =	vst v63  }
0x1b4: {  	_ =	swait.ge [sflag:s3], $0x8000  }
0x1b5: {  	[sflag:s3] =	ssyncset.done $0x0  }
0x1b6: {  	s0 =	rddreg [dreg:$0x13];
	[sflag:s3] =	ssyncadd.s32 $0xFFFF8000  }
0x1b7: {  	[tilespmem:s2], [sflag:$0x2] =	stream.linear.gather [hbm4b:s0+s2], $0x800, $0x38;
	[tilespmem:$0x8800] =	vst v63  }
0x1b8: {  	_ =	swait.ge [sflag:s3], $0x800  }
0x1b9: {  	[sflag:s3] =	ssyncset.done $0x0  }
0x1ba: {  	[sflag:s3] =	ssyncadd.s32 $0xFFFFF800  }
0x1bb: {  	[tilespmem:s5], [sflag:$0x1] =	stream.indirect.gather [hbm4b:s4+s5], $0x10, s2, s5, $0xb8;
	[tilespmem:$0x8800] =	vst v63  }
0x1bc: {  	_ =	swait.ge [sflag:s6], $0x8000  }
0x1bd: {  	[sflag:s6] =	ssyncset.done $0x0  }
0x1be: {  	s0 =	rddreg [dreg:$0x14];
	[sflag:s6] =	ssyncadd.s32 $0xFFFF8000  }
0x1bf: {  	[hbm4b:s0+s2] =	stream.linear.scatter [tilespmem:s5], [sflag:$0x2], $0x8000, $0x38;
	[tilespmem:$0x8800] =	vst v63  }
0x1c0: {  	_ =	swait.ge [sflag:s3], $0x8000  }
0x1c1: {  	[sflag:s3] =	ssyncset.done $0x0  }
0x1c2: {  	s0 =	rddreg [dreg:$0x15];
	[sflag:s3] =	ssyncadd.s32 $0xFFFF8000  }
0x1c3: {  	[tilespmem:s2], [sflag:$0x2] =	stream.linear.gather [hbm4b:s0+s2], $0x800, $0x38;
	[tilespmem:$0x8800] =	vst v63  }
0x1c4: {  	_ =	swait.ge [sflag:s3], $0x800  }
0x1c5: {  	[sflag:s3] =	ssyncset.done $0x0  }
0x1c6: {  	[sflag:s3] =	ssyncadd.s32 $0xFFFFF800  }
0x1c7: {  	[tilespmem:s5], [sflag:$0x1] =	stream.indirect.gather [hbm4b:s4+s5], $0x10, s2, s5, $0xb8;
	[tilespmem:$0x8800] =	vst v63  }
0x1c8: {  	_ =	swait.ge [sflag:s6], $0x8000  }
0x1c9: {  	[sflag:s6] =	ssyncset.done $0x0  }
0x1ca: {  	s0 =	rddreg [dreg:$0x16];
	[sflag:s6] =	ssyncadd.s32 $0xFFFF8000  }
0x1cb: {  	[hbm4b:s0+s2] =	stream.linear.scatter [tilespmem:s5], [sflag:$0x2], $0x8000, $0x38;
	[tilespmem:$0x8800] =	vst v63  }
0x1cc: {  	_ =	swait.ge [sflag:s3], $0x8000  }
0x1cd: {  	[sflag:s3] =	ssyncset.done $0x0  }
0x1ce: {  	s0 =	rddreg [dreg:$0x17];
	[sflag:s3] =	ssyncadd.s32 $0xFFFF8000  }
0x1cf: {  	[tilespmem:s2], [sflag:$0x2] =	stream.linear.gather [hbm4b:s0+s2], $0x800, $0x38;
	[tilespmem:$0x8800] =	vst v63  }
0x1d0: {  	_ =	swait.ge [sflag:s3], $0x800  }
0x1d1: {  	[sflag:s3] =	ssyncset.done $0x0  }
0x1d2: {  	[sflag:s3] =	ssyncadd.s32 $0xFFFFF800  }
0x1d3: {  	[tilespmem:s5], [sflag:$0x1] =	stream.indirect.gather [hbm4b:s4+s5], $0x10, s2, s5, $0xb8;
	[tilespmem:$0x8800] =	vst v63  }
0x1d4: {  	_ =	swait.ge [sflag:s6], $0x8000  }
0x1d5: {  	[sflag:s6] =	ssyncset.done $0x0  }
0x1d6: {  	s0 =	rddreg [dreg:$0x18];
	[sflag:s6] =	ssyncadd.s32 $0xFFFF8000  }
0x1d7: {  	[hbm4b:s0+s2] =	stream.linear.scatter [tilespmem:s5], [sflag:$0x2], $0x8000, $0x38;
	[tilespmem:$0x8800] =	vst v63  }
0x1d8: {  	_ =	swait.ge [sflag:s3], $0x8000  }
0x1d9: {  	[sflag:s3] =	ssyncset.done $0x0  }
0x1da: {  	s0 =	rddreg [dreg:$0x19];
	[sflag:s3] =	ssyncadd.s32 $0xFFFF8000  }
0x1db: {  	[tilespmem:s2], [sflag:$0x2] =	stream.linear.gather [hbm4b:s0+s2], $0x800, $0x38;
	[tilespmem:$0x8800] =	vst v63  }
0x1dc: {  	_ =	swait.ge [sflag:s3], $0x800  }
0x1dd: {  	[sflag:s3] =	ssyncset.done $0x0  }
0x1de: {  	[sflag:s3] =	ssyncadd.s32 $0xFFFFF800  }
0x1df: {  	[tilespmem:s5], [sflag:$0x1] =	stream.indirect.gather [hbm4b:s4+s5], $0x10, s2, s5, $0xb8;
	[tilespmem:$0x8800] =	vst v63  }
0x1e0: {  	_ =	swait.ge [sflag:s6], $0x8000  }
0x1e1: {  	[sflag:s6] =	ssyncset.done $0x0  }
0x1e2: {  	s0 =	rddreg [dreg:$0x1a];
	[sflag:s6] =	ssyncadd.s32 $0xFFFF8000  }
0x1e3: {  	[hbm4b:s0+s2] =	stream.linear.scatter [tilespmem:s5], [sflag:$0x2], $0x8000, $0x38;
	[tilespmem:$0x8800] =	vst v63  }
0x1e4: {  	_ =	swait.ge [sflag:s3], $0x8000  }
0x1e5: {  	[sflag:s3] =	ssyncset.done $0x0  }
0x1e6: {  	s0 =	rddreg [dreg:$0x1b];
	[sflag:s3] =	ssyncadd.s32 $0xFFFF8000  }
0x1e7: {  	[tilespmem:s2], [sflag:$0x2] =	stream.linear.gather [hbm4b:s0+s2], $0x800, $0x38;
	[tilespmem:$0x8800] =	vst v63  }
0x1e8: {  	_ =	swait.ge [sflag:s3], $0x800  }
0x1e9: {  	[sflag:s3] =	ssyncset.done $0x0  }
0x1ea: {  	[sflag:s3] =	ssyncadd.s32 $0xFFFFF800  }
0x1eb: {  	[tilespmem:s5], [sflag:$0x1] =	stream.indirect.gather [hbm4b:s4+s5], $0x10, s2, s5, $0xb8;
	[tilespmem:$0x8800] =	vst v63  }
0x1ec: {  	_ =	swait.ge [sflag:s6], $0x8000  }
0x1ed: {  	[sflag:s6] =	ssyncset.done $0x0  }
0x1ee: {  	s0 =	rddreg [dreg:$0x1c];
	[sflag:s6] =	ssyncadd.s32 $0xFFFF8000  }
0x1ef: {  	[hbm4b:s0+s2] =	stream.linear.scatter [tilespmem:s5], [sflag:$0x2], $0x8000, $0x38;
	[tilespmem:$0x8800] =	vst v63  }
0x1f0: {  	_ =	swait.ge [sflag:s3], $0x8000  }
0x1f1: {  	[sflag:s3] =	ssyncset.done $0x0  }
0x1f2: {  	[sflag:s3] =	ssyncadd.s32 $0xFFFF8000  }
0x1f3: {  	[tilespmem:s2], [sflag:$0x2] =	stream.linear.gather [hbm4b:s7+s2], $0x800, $0x38;
	[tilespmem:$0x8800] =	vst v63  }
0x1f4: {  	_ =	swait.ge [sflag:s3], $0x800  }
0x1f5: {  	[sflag:s3] =	ssyncset.done $0x0  }
0x1f6: {  	[sflag:s3] =	ssyncadd.s32 $0xFFFFF800  }
0x1f7: {  	[tilespmem:s5], [sflag:$0x1] =	stream.indirect.gather [hbm4b:s4+s5], $0x10, s2, s5, $0xb8;
	[tilespmem:$0x8800] =	vst v63  }
0x1f8: {  	_ =	swait.ge [sflag:s6], $0x8000  }
0x1f9: {  	[sflag:s6] =	ssyncset.done $0x0  }
0x1fa: {  	[sflag:s6] =	ssyncadd.s32 $0xFFFF8000  }
0x1fb: {  	[hbm4b:s8+s2] =	stream.linear.scatter [tilespmem:s5], [sflag:$0x2], $0x8000, $0x38;
	[tilespmem:$0x8800] =	vst v63  }
0x1fc: {  	_ =	swait.ge [sflag:s3], $0x8000  }
0x1fd: {  	[sflag:s3] =	ssyncset.done $0x0  }
0x1fe: {  	[sflag:s3] =	ssyncadd.s32 $0xFFFF8000  }
0x1ff: {  	[tilespmem:s2], [sflag:$0x2] =	stream.linear.gather [hbm4b:s9+s2], $0x800, $0x38;
	[tilespmem:$0x8800] =	vst v63  }
0x200: {  	_ =	swait.ge [sflag:s3], $0x800  }
0x201: {  	[sflag:s3] =	ssyncset.done $0x0  }
0x202: {  	[sflag:s3] =	ssyncadd.s32 $0xFFFFF800  }
0x203: {  	[tilespmem:s5], [sflag:$0x1] =	stream.indirect.gather [hbm4b:s4+s5], $0x10, s2, s5, $0xb8;
	[tilespmem:$0x8800] =	vst v63  }
0x204: {  	_ =	swait.ge [sflag:s6], $0x8000  }
0x205: {  	[sflag:s6] =	ssyncset.done $0x0  }
0x206: {  	[sflag:s6] =	ssyncadd.s32 $0xFFFF8000  }
0x207: {  	[hbm4b:s10+s2] =	stream.linear.scatter [tilespmem:s5], [sflag:$0x2], $0x8000, $0x38;
	[tilespmem:$0x8800] =	vst v63  }
0x208: {  	_ =	swait.ge [sflag:s3], $0x8000  }
0x209: {  	[sflag:s3] =	ssyncset.done $0x0  }
0x20a: {  	[sflag:s3] =	ssyncadd.s32 $0xFFFF8000  }
0x20b: {  	[tilespmem:s2], [sflag:$0x2] =	stream.linear.gather [hbm4b:s11+s2], $0x800, $0x38;
	[tilespmem:$0x8800] =	vst v63  }
0x20c: {  	_ =	swait.ge [sflag:s3], $0x800  }
0x20d: {  	[sflag:s3] =	ssyncset.done $0x0  }
0x20e: {  	[sflag:s3] =	ssyncadd.s32 $0xFFFFF800  }
0x20f: {  	[tilespmem:s5], [sflag:$0x1] =	stream.indirect.gather [hbm4b:s4+s5], $0x10, s2, s5, $0xb8;
	[tilespmem:$0x8800] =	vst v63  }
0x210: {  	_ =	swait.ge [sflag:s6], $0x8000  }
0x211: {  	[sflag:s6] =	ssyncset.done $0x0  }
0x212: {  	[sflag:s6] =	ssyncadd.s32 $0xFFFF8000  }
0x213: {  	[hbm4b:s12+s2] =	stream.linear.scatter [tilespmem:s5], [sflag:$0x2], $0x8000, $0x38;
	[tilespmem:$0x8800] =	vst v63  }
0x214: {  	_ =	swait.ge [sflag:s3], $0x8000  }
0x215: {  	[sflag:s3] =	ssyncset.done $0x0  }
0x216: {  	[sflag:s3] =	ssyncadd.s32 $0xFFFF8000  }
0x217: {  	[tilespmem:s2], [sflag:$0x2] =	stream.linear.gather [hbm4b:s13+s2], $0x800, $0x38;
	[tilespmem:$0x8800] =	vst v63  }
0x218: {  	_ =	swait.ge [sflag:s3], $0x800  }
0x219: {  	[sflag:s3] =	ssyncset.done $0x0  }
0x21a: {  	[sflag:s3] =	ssyncadd.s32 $0xFFFFF800  }
0x21b: {  	[tilespmem:s5], [sflag:$0x1] =	stream.indirect.gather [hbm4b:s4+s5], $0x10, s2, s5, $0xb8;
	[tilespmem:$0x8800] =	vst v63  }
0x21c: {  	_ =	swait.ge [sflag:s6], $0x8000  }
0x21d: {  	[sflag:s6] =	ssyncset.done $0x0  }
0x21e: {  	[sflag:s6] =	ssyncadd.s32 $0xFFFF8000  }
0x21f: {  	[hbm4b:s14+s2] =	stream.linear.scatter [tilespmem:s5], [sflag:$0x2], $0x8000, $0x38;
	[tilespmem:$0x8800] =	vst v63  }
0x220: {  	_ =	swait.ge [sflag:s3], $0x8000  }
0x221: {  	[sflag:s3] =	ssyncset.done $0x0  }
0x222: {  	[sflag:s3] =	ssyncadd.s32 $0xFFFF8000  }
0x223: {  	[tilespmem:s2], [sflag:$0x2] =	stream.linear.gather [hbm4b:s15+s2], $0x800, $0x38;
	[tilespmem:$0x8800] =	vst v63  }
0x224: {  	_ =	swait.ge [sflag:s3], $0x800  }
0x225: {  	[sflag:s3] =	ssyncset.done $0x0  }
0x226: {  	[sflag:s3] =	ssyncadd.s32 $0xFFFFF800  }
0x227: {  	[tilespmem:s5], [sflag:$0x1] =	stream.indirect.gather [hbm4b:s4+s5], $0x10, s2, s5, $0xb8;
	[tilespmem:$0x8800] =	vst v63  }
0x228: {  	_ =	swait.ge [sflag:s6], $0x8000  }
0x229: {  	[sflag:s6] =	ssyncset.done $0x0  }
0x22a: {  	[sflag:s6] =	ssyncadd.s32 $0xFFFF8000  }
0x22b: {  	[hbm4b:s16+s2] =	stream.linear.scatter [tilespmem:s5], [sflag:$0x2], $0x8000, $0x38;
	[tilespmem:$0x8800] =	vst v63  }
0x22c: {  	_ =	swait.ge [sflag:s3], $0x8000  }
0x22d: {  	[sflag:s3] =	ssyncset.done $0x0  }
0x22e: {  	[sflag:s3] =	ssyncadd.s32 $0xFFFF8000  }
0x22f: {  	[tilespmem:s2], [sflag:$0x2] =	stream.linear.gather [hbm4b:s17+s2], $0x800, $0x38;
	[tilespmem:$0x8800] =	vst v63  }
0x230: {  	_ =	swait.ge [sflag:s3], $0x800  }
0x231: {  	[sflag:s3] =	ssyncset.done $0x0  }
0x232: {  	[sflag:s3] =	ssyncadd.s32 $0xFFFFF800  }
0x233: {  	[tilespmem:s5], [sflag:$0x1] =	stream.indirect.gather [hbm4b:s4+s5], $0x10, s2, s5, $0xb8;
	[tilespmem:$0x8800] =	vst v63  }
0x234: {  	_ =	swait.ge [sflag:s6], $0x8000  }
0x235: {  	[sflag:s6] =	ssyncset.done $0x0  }
0x236: {  	[sflag:s6] =	ssyncadd.s32 $0xFFFF8000  }
0x237: {  	[hbm4b:s18+s2] =	stream.linear.scatter [tilespmem:s5], [sflag:$0x2], $0x8000, $0x38;
	[tilespmem:$0x8800] =	vst v63  }
0x238: {  	_ =	swait.ge [sflag:s3], $0x8000  }
0x239: {  	[sflag:s3] =	ssyncset.done $0x0  }
0x23a: {  	[sflag:s3] =	ssyncadd.s32 $0xFFFF8000  }
0x23b: {  	[tilespmem:s2], [sflag:$0x2] =	stream.linear.gather [hbm4b:s19+s2], $0x800, $0x38;
	[tilespmem:$0x8800] =	vst v63  }
0x23c: {  	_ =	swait.ge [sflag:s3], $0x800  }
0x23d: {  	[sflag:s3] =	ssyncset.done $0x0  }
0x23e: {  	[sflag:s3] =	ssyncadd.s32 $0xFFFFF800  }
0x23f: {  	[tilespmem:s5], [sflag:$0x1] =	stream.indirect.gather [hbm4b:s4+s5], $0x10, s2, s5, $0xb8;
	[tilespmem:$0x8800] =	vst v63  }
0x240: {  	_ =	swait.ge [sflag:s6], $0x8000  }
0x241: {  	[sflag:s6] =	ssyncset.done $0x0  }
0x242: {  	[sflag:s6] =	ssyncadd.s32 $0xFFFF8000  }
0x243: {  	[hbm4b:s20+s2] =	stream.linear.scatter [tilespmem:s5], [sflag:$0x2], $0x8000, $0x38;
	[tilespmem:$0x8800] =	vst v63  }
0x244: {  	_ =	swait.ge [sflag:s3], $0x8000  }
0x245: {  	[sflag:s3] =	ssyncset.done $0x0  }
0x246: {  	[sflag:s3] =	ssyncadd.s32 $0xFFFF8000  }
0x247: {  	[tilespmem:s2], [sflag:$0x2] =	stream.linear.gather [hbm4b:s21+s2], $0x800, $0x38;
	[tilespmem:$0x8800] =	vst v63  }
0x248: {  	_ =	swait.ge [sflag:s3], $0x800  }
0x249: {  	[sflag:s3] =	ssyncset.done $0x0  }
0x24a: {  	[sflag:s3] =	ssyncadd.s32 $0xFFFFF800  }
0x24b: {  	[tilespmem:s5], [sflag:$0x1] =	stream.indirect.gather [hbm4b:s4+s5], $0x10, s2, s5, $0xb8;
	[tilespmem:$0x8800] =	vst v63  }
0x24c: {  	_ =	swait.ge [sflag:s6], $0x8000  }
0x24d: {  	[sflag:s6] =	ssyncset.done $0x0  }
0x24e: {  	[sflag:s6] =	ssyncadd.s32 $0xFFFF8000  }
0x24f: {  	[hbm4b:s22+s2] =	stream.linear.scatter [tilespmem:s5], [sflag:$0x2], $0x8000, $0x38;
	[tilespmem:$0x8800] =	vst v63  }
0x250: {  	_ =	swait.ge [sflag:s3], $0x8000  }
0x251: {  	[sflag:s3] =	ssyncset.done $0x0  }
0x252: {  	[sflag:s3] =	ssyncadd.s32 $0xFFFF8000  }
0x253: {  	[tilespmem:s2], [sflag:$0x2] =	stream.linear.gather [hbm4b:s23+s2], $0x800, $0x38;
	[tilespmem:$0x8800] =	vst v63  }
0x254: {  	_ =	swait.ge [sflag:s3], $0x800  }
0x255: {  	[sflag:s3] =	ssyncset.done $0x0  }
0x256: {  	[sflag:s3] =	ssyncadd.s32 $0xFFFFF800  }
0x257: {  	[tilespmem:s5], [sflag:$0x1] =	stream.indirect.gather [hbm4b:s4+s5], $0x10, s2, s5, $0xb8;
	[tilespmem:$0x8800] =	vst v63  }
0x258: {  	_ =	swait.ge [sflag:s6], $0x8000  }
0x259: {  	[sflag:s6] =	ssyncset.done $0x0  }
0x25a: {  	[sflag:s6] =	ssyncadd.s32 $0xFFFF8000  }
0x25b: {  	[hbm4b:s24+s2] =	stream.linear.scatter [tilespmem:s5], [sflag:$0x2], $0x8000, $0x38;
	[tilespmem:$0x8800] =	vst v63  }
0x25c: {  	_ =	swait.ge [sflag:s3], $0x8000  }
0x25d: {  	[sflag:s3] =	ssyncset.done $0x0  }
0x25e: {  	[sflag:s3] =	ssyncadd.s32 $0xFFFF8000  }
0x25f: {  	[tilespmem:s2], [sflag:$0x2] =	stream.linear.gather [hbm4b:s25+s2], $0x800, $0x38;
	[tilespmem:$0x8800] =	vst v63  }
0x260: {  	_ =	swait.ge [sflag:s3], $0x800  }
0x261: {  	[sflag:s3] =	ssyncset.done $0x0  }
0x262: {  	[sflag:s3] =	ssyncadd.s32 $0xFFFFF800  }
0x263: {  	[tilespmem:s5], [sflag:$0x1] =	stream.indirect.gather [hbm4b:s4+s5], $0x10, s2, s5, $0xb8;
	[tilespmem:$0x8800] =	vst v63  }
0x264: {  	_ =	swait.ge [sflag:s6], $0x8000  }
0x265: {  	[sflag:s6] =	ssyncset.done $0x0  }
0x266: {  	[sflag:s6] =	ssyncadd.s32 $0xFFFF8000  }
0x267: {  	[hbm4b:s26+s2] =	stream.linear.scatter [tilespmem:s5], [sflag:$0x2], $0x8000, $0x38;
	[tilespmem:$0x8800] =	vst v63  }
0x268: {  	_ =	swait.ge [sflag:s3], $0x8000  }
0x269: {  	[sflag:s3] =	ssyncset.done $0x0  }
0x26a: {  	[sflag:s3] =	ssyncadd.s32 $0xFFFF8000  }
0x26b: {  	[tilespmem:s2], [sflag:$0x2] =	stream.linear.gather [hbm4b:s28+s2], $0x800, $0x38;
	[tilespmem:$0x8800] =	vst v63  }
0x26c: {  	_ =	swait.ge [sflag:s3], $0x800  }
0x26d: {  	[sflag:s3] =	ssyncset.done $0x0  }
0x26e: {  	[sflag:s3] =	ssyncadd.s32 $0xFFFFF800  }
0x26f: {  	[tilespmem:s5], [sflag:$0x1] =	stream.indirect.gather [hbm4b:s4+s5], $0x10, s2, s5, $0xb8;
	[tilespmem:$0x8800] =	vst v63  }
0x270: {  	_ =	swait.ge [sflag:s6], $0x8000  }
0x271: {  	[sflag:s6] =	ssyncset.done $0x0  }
0x272: {  	[sflag:s6] =	ssyncadd.s32 $0xFFFF8000  }
0x273: {  	[hbm4b:s29+s2] =	stream.linear.scatter [tilespmem:s5], [sflag:$0x2], $0x8000, $0x38;
	[tilespmem:$0x8800] =	vst v63  }
0x274: {  	_ =	swait.ge [sflag:s3], $0x8000  }
0x275: {  	[sflag:s3] =	ssyncset.done $0x0  }
0x276: {  	[sflag:s3] =	ssyncadd.s32 $0xFFFF8000  }
0x277: {  	[tilespmem:s2], [sflag:$0x2] =	stream.linear.gather [hbm4b:s30+s2], $0x800, $0x38;
	[tilespmem:$0x8800] =	vst v63  }
0x278: {  	_ =	swait.ge [sflag:s3], $0x800  }
0x279: {  	[sflag:s3] =	ssyncset.done $0x0  }
0x27a: {  	p0 =	sne.s32 s1, $0x1;
	[sflag:s3] =	ssyncadd.s32 $0xFFFFF800  }
0x27b: {  	[tilespmem:s5], [sflag:$0x1] =	stream.indirect.gather [hbm4b:s4+s5], $0x10, s2, s5, $0xb8;
	[tilespmem:$0x8800] =	vst v63  }
.Ltmp1:
0x27c: {  	_ =	swait.ge [sflag:s6], $0x8000;
	(pc) =	sbr.rel @p0 .LBB2_1-.Ltmp1, $4  }
0x27d: {  	[sflag:s6] =	ssyncset.done $0x0  }
0x27e: {  	[sflag:s6] =	ssyncadd.s32 $0xFFFF8000  }
0x27f: {  	[hbm4b:s31+s2] =	stream.linear.scatter [tilespmem:s5], [sflag:$0x2], $0x8000, $0x38;
	[tilespmem:$0x8800] =	vst v63  }
0x280: {  	s1 =	sadd.s32 $0xFFFFFFFF, s1;
	_ =	swait.ge [sflag:s3], $0x8000  }
.LBB2_2:
0x281: {  	[sflag:s3] =	ssyncset.done $0x0  }
0x282: {  	[sflag:s3] =	ssyncadd.s32 $0xFFFF8000  }
0x283: {  	_ =	sfence.sel $0x180000  }
0x284: {  	[bflag:$0x0] =	sbarrier.arrive $0xFFFF  }
0x285: {  	_ =	strace $0x90000047  }
0x286: {  	s0 =	stileid.u32;
	[bflag:$0x2] =	sbarrier.arrive $0xFFFF  }
0x287: {  	p0 =	sne.s32 s0, $0x0;
	s0 =	rddreg [dreg:$0x2]  }
0x288: {  	s0 =	sadd.s32 @!p0 $0x100000, s0  }
0x289: {  	[sflag:s0] =	ssyncadd.tile.s32 @!p0 $0x1;
	_ =	shalt  }
.Lfunc_end2:
_tile_overlayer_lowered:
.L_overlay_start_2:
0x28a: {  	(tag) =	ssettag $0x2  }
0x28b: {  	s0 =	rddreg [dreg:$0x0];
	s2 =	stileid.u32  }
0x28c: {  	s1 =	rddreg [dreg:$0x1];
	p0 =	sne.s32 s2, $0x0  }
0x28d: {  	s3 =	rddreg [dreg:$0x2];
	[bflag:$0x3] =	sbarrier.arrive $0xFFFF;
	s2 =	simm.s32 @!p0 $0x1C02  }
0x28e: {  	[timem:s3], [sflag:s2] =	dma.local @!p0 [hbm:s0], s1  }
0x28f: {  	s0 =	simm.s32 @!p0 $0x2  }
0x290: {  	_ =	swait.ge @!p0 [sflag:s0], s1  }
0x291: {  	s1 =	ssub.s32 @!p0 $0x0, s1;
	[sflag:s0] =	ssyncset.done @!p0 $0x0  }
0x292: {  	[sflag:s0] =	ssyncadd.s32 @!p0 s1  }
0x293: {  	[bflag:$0x3] =	sbarrier.arrive $0xFFFF  }
0x294: {  	_ =	shalt  }

// kernel: sparse-core-data-format-call.cloned.1.call-start
scs
called_computation_lowered:
.L_overlay_start_0:
0x0: {  	s2 =	sld [smem:$0x3FD9]  }
0x1: {  	s3 =	sld [smem:$0x3FFE];
	_ =	sdelay $0x1  }
0x2: {  	s1 =	srdreg.scid  }
0x3: {  	s0 =	sand.u32 $0x1, s1  }
0x4: {  	s18 =	sshll.u32 s0, $0xA;
	s2 =	sadd.s32 s3, s2  }
0x5: {  	s2 =	sadd.s32 s2, s18  }
0x6: {  	[smem:$0x3FC4] =	sst s2  }
0x7: {  	_ = 	snop  }
0x8: {  	s2 =	sld [smem:$0x3FD0];
	(tm) =	ssettm $0x1  }
0x9: {  	s19 =	sld [smem:$0x3FFB];
	_ =	sdelay $0x3  }
0xa: {  	_ =	strace s19  }
0xb: {  	s3 =	sld [smem:$0x3FFC];
	_ =	sdelay $0x3  }
0xc: {  	_ =	strace s3  }
0xd: {  	s3 =	sld [smem:$0x3FFD];
	_ =	sdelay $0x3  }
0xe: {  	_ =	strace s3  }
0xf: {  	_ =	strace $0x8FFFFFFF  }
0x10: {  	s20 =	sld [smem:$0x3FDB];
	_ =	sdelay $0x1  }
0x11: {  	s4 =	simm.s32 $_scs_section_size  }
0x12: {  	s5 =	simm.s32 $_size__tile_overlayer_lowered;
	s6 =	simm.s32 $_tile_overlayer_lowered  }
0x13: {  	s23 =	simm.s32 $0x1BFF;
	s22 =	sshll.u32 s6, $0x1;
	s3 =	sadd.s32 s4, s20  }
0x14: {  	s7 =	simm.s32 $0x0;
	s21 =	sshll.u32 s5, $0x1;
	s5 =	sadd.s32 s22, s3  }
0x15: {  	[timem:s7], [sflag:s23] =	dma.local [hbm:s5], s21  }
0x16: {  	_ =	swait.ge [sflag:s23], s21  }
0x17: {  	s4 =	ssub.s32 $0x0, s21;
	[sflag:s23] =	ssyncset.done $0x0  }
0x18: {  	[sflag:s23] =	ssyncadd.s32 s4;
	_ =	sdelay $0x1  }
0x19: {  	s24 =	simm.s32 $0x1B8B  }
0x1a: {  	_ =	swait.ge [sflag:s24], $0x1  }
0x1b: {  	[sflag:s24] =	ssyncset.done $0x0  }
0x1c: {  	s26 =	simm.s32 $0x1B8E;
	s25 =	sld [smem:$0x3FFE];
	[sflag:s24] =	ssyncadd.s32 $0xFFFFFFFF  }
0x1d: {  	s27 =	simm.s32 $execute0_lowered;
	[smem:$0x3FD2] =	sst s26  }
0x1e: {  	s5 =	sshll.u32 s27, $0x1;
	_ =	strace $0x80000049;
	[dreg:$0x1] =	wrdreg $0xFFFFFFFF  }
0x1f: {  	s28 =	simm.s32 $_size_execute0_lowered;
	s3 =	sadd.s32 s3, s5;
	[dreg:$0x0] =	wrdreg $0x0  }
0x20: {  	s5 =	sshll.u32 s28, $0x1;
	[dreg:$0x2] =	wrdreg s3  }
0x21: {  	[dreg:$0x3] =	wrdreg s5  }
0x22: {  	[dreg:$0x4] =	wrdreg $0xC0  }
0x23: {  	_ =	task [dreg:s7], $0x5FFFF  }
0x24: {  	[dreg:$0x1] =	wrdreg $0xFFFFFFFF  }
0x25: {  	[dreg:$0x0] =	wrdreg $0x60  }
0x26: {  	[dreg:$0x2] =	wrdreg s25  }
0x27: {  	[dreg:$0x3] =	wrdreg s2  }
0x28: {  	[dreg:$0x4] =	wrdreg $0x9  }
0x29: {  	_ =	task.clear_ibuf [dreg:s7], $0x5FFFF;
	_ =	strace $0x90000049  }
0x2a: {  	s29 =	simm.s32 $0x9;
	_ =	strace $0x8000004B  }
0x2b: {  	_ =	swait.ge [sflag:s29], $0x1  }
0x2c: {  	[sflag:s29] =	ssyncadd.s32 $0xFFFFFFFF  }
0x2d: {  	_ =	strace $0x9000004B  }
0x2e: {  	_ =	sfence  }
0x2f: {  	s30 =	sld [smem:$0x0];
	_ =	sdelay $0x2  }
0x30: {  	s31 =	sshll.u32 s1, $0xD;
	s1 =	sshrl.u32 s1, $0x2  }
0x31: {  	s3 =	sand.u32 $0x4000, s31;
	s1 =	sadd.s32 s1, s30  }
0x32: {  	s0 =	sor.u32 s3, s0;
	s1 =	sshll.u32 s1, $0x11  }
0x33: {  	s0 =	sor.u32 s1, s0  }
0x34: {  	s0 =	sadd.s32 $0x8F2B, s0  }
0x35: {  	[sflag:s0] =	ssyncadd.remote.s32 $0x1  }
0x36: {  	_ =	sfence.sel $0xFFFF  }
0x37: {  	[dreg:$0x0] =	wrdreg $0xFFFFFFFF;
	(pc) =	sbr.abs _section_cstart, $3  }
0x38: {  	[dreg:$0x1] =	wrdreg $0xFFFFFFFF  }
0x39: {  	_ =	task.clear_ibuf [dreg:s7], $0x2FFFF;
	_ =	strace $0x9FFFFFFF  }
0x3a: {  	(tm) =	ssettm $0x7FFFFFFF  }
0x3b: {  	_ =	shalt  }
tec
execute0_lowered:
.L_overlay_start_1:
0x0: {  	(tag) =	ssettag $0x1  }
0x1: {  	s0 =	srdreg.scid  }
0x2: {  	s1 =	sshll.u32 s0, $0x4  }
0x3: {  	s0 =	stileid.u32;
	s1 =	sand.u32 $0x10, s1  }
0x4: {  	s1 =	sor.u32 s0, s1  }
0x5: {  	s6 =	rddreg [dreg:$0x0];
	s2 =	sshll.u32 s1, $0x7  }
0x6: {  	s3 =	rddreg [dreg:$0x1];
	s5 =	simm.s32 $0x1;
	s4 =	ssub.s32 $0x4000, s2  }
0x7: {  	s31 =	simm.s32 $0x2;
	s12 =	simm.s32 $0x0;
	s30 =	sand.u32 $0xF80, s4  }
0x8: {  	s11 =	simm.s32 $0x0;
	s8 =	simm.s32 $0x0;
	p0 =	sne.s32 s30, $0x0  }
.Ltmp0:
0x9: {  	s7 =	sshrl.u32 s4, $0xC;
	s5 =	simm.s32 @!p0 $0x0;
	(pc) =	sbr.rel .LBB1_1-.Ltmp0, $4  }
0xa: {  	s10 =	simm.s32 $0x0;
	s1 =	rddreg [dreg:$0x2];
	s5 =	sadd.s32 s5, s7  }
0xb: {  	_ =	strace $0x8000004A;
	s4 =	simm.s32 $0x1;
	s5 =	smul.u32 $0xC8, s5  }
0xc: {  	s6 =	sadd.s32 $0xE00, s6;
	s9 =	smov.u32 s2;
	[sflag:s4] =	ssyncpa.u1 $0x0  }
0xd: {  	[sflag:s31] =	ssyncpa.u1 $0x0;
	p0 =	por $0x0, $0x0;
	s7 =	sor.u32 $0x1, s5  }
.LBB1_4:
0xe: {  	s15 =	sshll.u32 s11, $0x3  }
0xf: {  	s16 =	sand.u32 $0x78, s11;
	s17 =	sand.u32 $0x3800, s11;
	s15 =	sand.u32 $0x3C00, s15  }
0x10: {  	s12 =	sshll.u32 s12, $0xE;
	s30 =	sadd.s32 s3, s17;
	s15 =	sor.u32 s16, s15  }
0x11: {  	s12 =	sadd.s32 s12, s30;
	s15 =	sshrl.u32 s15, $0x3  }
0x12: {  	[tilespmem:s14+$0x0 ss:$0x81] =	vst.msk $0xff, v1;
	s31 =	sand.u32 $0x7, s11;
	s12 =	sadd.s32 s15, s12  }
0x13: {  	[hbm4b:s12+s31] =	stream.linear.scatter [tilespmem:s13], [sflag:$0x2], $0x400, $0x20;
	[tilespmem:$0x1010] =	vst v63  }
.LBB1_5:
0x14: {  	s13 =	sadd.s32 $0x1, s8  }
0x15: {  	s11 =	sadd.s32 $0x1000, s9;
	s15 =	smov.u32 s9;
	p2 =	sgt.s32 s13, $0xC7  }
0x16: {  	s15 =	smov.u32 @p2 s11  }
0x17: {  	s13 =	simm.s32 @p2 $0x0;
	p2 =	sgt.s32 s15, $0x3FFF  }
0x18: {  	s15 =	smov.u32 @p2 s2;
	p2 =	sne.s32 s10, s7  }
.Ltmp1:
0x19: {  	p1 =	slt.u32 s10, $0x2;
	(pc) =	sbr.rel @!p2 .LBB1_6-.Ltmp1, $4  }
0x1a: {  	s14 =	simm.s32 @!p1 $0x2  }
0x1b: {  	s12 =	smov.u32 s8;
	p0 =	por !p0, !p0;
	_ =	swait.ge @!p1 [sflag:s14], $0x400  }
0x1c: {  	s11 =	smov.u32 s9;
	[sflag:s14] =	ssyncset.done @!p1 $0x0;
	s8 =	smov.u32 s13  }
0x1d: {  	s10 =	sadd.s32 $0x1, s10;
	[sflag:s14] =	ssyncadd.s32 @!p1 $0xFFFFFC00;
	s9 =	smov.u32 s15  }
.LBB1_1:
0x1e: {  	p1 =	sge.u32 s10, s5  }
0x1f: {  	s13 =	sand.u32 @!p1 $0x1FFFFFF, s8  }
0x20: {  	s14 =	smulhi.u32 @!p1 $0x147AE15, s13;
	_ =	sdelay $0x1  }
0x21: {  	s14 =	smul.u32 @!p1 $0xC8, s14  }
0x22: {  	s15 =	sxor.u32 @!p1 $0xFFFFFFFF, s10;
	s16 =	smul.u32 @!p1 $0xC80, s9  }
0x23: {  	s31 =	sadd.s32 $0xFFFFFFFF, s10;
	s15 =	sshll.u32 @!p1 s15, $0xA;
	s13 =	ssub.s32 @!p1 s13, s14  }
0x24: {  	s14 =	sand.u32 @!p1 $0x400, s15;
	s15 =	sadd.s32 @!p1 s6, s16;
	s13 =	sshll.u32 @!p1 s13, $0x4  }
0x25: {  	s16 =	simm.s32 @!p1 $0x6400;
	s13 =	sadd.s32 @!p1 s13, s15;
	s15 =	simm.s32 @!p1 $0x8  }
0x26: {  	[tilespmem:s14], [sflag:$0x1] =	stream.strided.gather @!p1 [hbm4b:s13+s15], $0x400, s16, s15, $0x38;
	[tilespmem:$0x1010] =	vst v63  }
0x27: {  	p1 =	sge.u32 s31, s5  }
.Ltmp2:
0x28: {  	_ = 	snop;
	(pc) =	sbr.rel @p1 .LBB1_5-.Ltmp2, $1  }
0x29: {  	_ =	sdelay $0x3  }
0x2a: {  	s13 =	simm.s32 $0x1  }
0x2b: {  	s13 =	simm.s32 @!p0 $0x0  }
0x2c: {  	s14 =	sshll.u32 s13, $0xA  }
0x2d: {  	v0 =	vmov s14;
	_ =	sdelay $0x1  }
0x2e: {  	_ =	swait.ge [sflag:s4], $0x400  }
0x2f: {  	s31 =	sand.u32 $0x1, s10;
	[sflag:s4] =	ssyncset.done $0x0  }
0x30: {  	s16 =	simm.s32 $0x0;
	s13 =	smul.u32 $0x1020, s13;
	[sflag:s4] =	ssyncadd.s32 $0xFFFFFC00  }
0x31: {  	s14 =	smul.u32 $0x1020, s31;
	v1 =	vld.idx.msk [tilespmem:v0+s16+$0x0 ss:$0x1], $0xff;
	_ =	sdelay $0x1  }
0x32: {  	s13 =	sshrl.u32 s13, $0x2;
	s15 =	sshrl.u32 s14, $0x2  }
0x33: {  	s14 =	sor.u32 $0x800, s13;
	s13 =	sor.u32 $0x800, s15;
	s15 =	simm.s32 $0x20  }
.LBB1_3:
0x34: {  	s16 =	sshra.s32 s15, $0x2;
	p1 =	sne.s32 s15, $0xFE0;
	s15 =	sadd.s32 $0x20, s15  }
.Ltmp3:
0x35: {  	[tilespmem:s14+$0x0 ss:$0x81] =	vst.msk $0xff, v1;
	v1 =	vld.idx.msk [tilespmem:v0+s16+$0x0 ss:$0x1], $0xff;
	(pc) =	sbr.rel @p1 .LBB1_3-.Ltmp3, $2  }
0x36: {  	_ =	sdelay $0x2  }
0x37: {  	s14 =	sadd.s32 $0x1, s14  }
.Ltmp4:
0x38: {  	_ = 	snop;
	(pc) =	sbr.rel .LBB1_4-.Ltmp4, $1  }
0x39: {  	_ =	sdelay $0x3  }
.LBB1_6:
0x3a: {  	_ =	sfence.sel $0x180000  }
0x3b: {  	s2 =	simm.s32 $0x1;
	[bflag:$0x0] =	sbarrier.arrive $0xFFFF  }
0x3c: {  	s31 =	simm.s32 $0x2;
	[sflag:s2] =	ssyncpa.u1 $0x1  }
0x3d: {  	[sflag:s31] =	ssyncpa.u1 $0x1  }
0x3e: {  	p0 =	sne.s32 s0, $0x0;
	_ =	strace $0x9000004A  }
0x3f: {  	s0 =	sadd.s32 @!p0 $0x100000, s1;
	[bflag:$0x2] =	sbarrier.arrive $0xFFFF  }
0x40: {  	[sflag:s0] =	ssyncadd.tile.s32 @!p0 $0x1;
	_ =	shalt  }
.Lfunc_end1:
_tile_overlayer_lowered:
.L_overlay_start_2:
0x41: {  	(tag) =	ssettag $0x2  }
0x42: {  	s0 =	rddreg [dreg:$0x0];
	s2 =	stileid.u32  }
0x43: {  	s1 =	rddreg [dreg:$0x1];
	p0 =	sne.s32 s2, $0x0  }
0x44: {  	s3 =	rddreg [dreg:$0x2];
	[bflag:$0x3] =	sbarrier.arrive $0xFFFF;
	s2 =	simm.s32 @!p0 $0x1C01  }
0x45: {  	[timem:s3], [sflag:s2] =	dma.local @!p0 [hbm:s0], s1  }
0x46: {  	s0 =	simm.s32 @!p0 $0x1  }
0x47: {  	_ =	swait.ge @!p0 [sflag:s0], s1  }
0x48: {  	s1 =	ssub.s32 @!p0 $0x0, s1;
	[sflag:s0] =	ssyncset.done @!p0 $0x0  }
0x49: {  	[sflag:s0] =	ssyncadd.s32 @!p0 s1  }
0x4a: {  	[bflag:$0x3] =	sbarrier.arrive $0xFFFF  }
0x4b: {  	_ =	shalt  }

</sc_bundles>
